<compile_context>
chip_gen: v7x
topology: tpu7x:2x2x1
jax: 0.10.2.dev20260603
libtpu: 0.0.44.dev20260713+nightly
codegen_flags: <defaults>
</compile_context>

<pallas_src>
import functools

import jax
import jax.numpy as jnp
from jax import lax
from jax.experimental import pallas as pl
from jax.experimental.pallas import tpu as pltpu
from jax.experimental.pallas import tpu_sc as plsc

D = 64
NW = 32
C = 256
K = 1
RC = K * C
NBUF = 6
LA = 2


@functools.cache
def _build(n_total):
    n_w = n_total // NW
    nch = n_w // RC
    ngrp = (nch + NBUF + NBUF - 1) // NBUF
    mesh = plsc.VectorSubcoreMesh(core_axis_name="c", subcore_axis_name="s")

    @functools.partial(
        pl.kernel,
        mesh=mesh,
        out_type=jax.ShapeDtypeStruct((n_total, D), jnp.float32),
        scratch_types=(
            [pltpu.VMEM((nch, K, C), jnp.int32),
             pltpu.VMEM((NBUF, RC, D), jnp.float32)]
            + [pltpu.SemaphoreType.DMA] * (2 * NBUF)
        ),
        compiler_params=pltpu.CompilerParams(use_tc_tiling_on_sc=False),
    )
    def emb(x_hbm, table_hbm, out_hbm, idx_v, rows_v, *sems):
        gsem, wsem = sems[:NBUF], sems[NBUF:]
        wid = lax.axis_index("s") * 2 + lax.axis_index("c")
        pltpu.sync_copy(x_hbm.at[wid], idx_v)
        base = wid * n_w

        def group(g, carry):
            for b in range(NBUF):
                j = g * NBUF + b

                @pl.when((j >= NBUF) & (j < nch + NBUF))
                def _():
                    pltpu.make_async_copy(
                        rows_v.at[b], out_hbm.at[pl.ds(0, RC)], wsem[b]
                    ).wait()

                @pl.when(j < nch)
                def _():
                    for k in range(K):
                        pltpu.async_copy(
                            table_hbm.at[idx_v.at[j, k]],
                            rows_v.at[b, pl.ds(k * C, C)],
                            gsem[b],
                        )

                p = j - LA
                bp = (b - LA) % NBUF

                @pl.when((p >= 0) & (p < nch))
                def _():
                    pltpu.make_async_copy(
                        out_hbm.at[pl.ds(0, RC)], rows_v.at[bp], gsem[bp]
                    ).wait()
                    pltpu.async_copy(
                        rows_v.at[bp],
                        out_hbm.at[pl.ds(base + p * RC, RC)],
                        wsem[bp],
                    )
            return carry

        lax.fori_loop(0, ngrp, group, 0)

    return emb


def kernel(x, table):
    b, h = x.shape
    n = b * h
    xf = x.reshape(NW, (n // NW) // RC, K, C).astype(jnp.int32)
    out = _build(n)(xf, table)
    return out.reshape(b, h, D)

# --- scband reference (transcript-rebuilt; emitter-appended) ---
"""Pipeline reference for scband-pretrained-embedding-76742475645417 (READ-ONLY COPY).

The authoritative reference and input builder live on the scoring server;
editing this copy changes nothing except your own understanding.
"""

import jax, jax.numpy as jnp
import numpy as np

VOCAB = 1000000
EMBED_DIM = 64
BATCH = 16384
HIST_LEN = 50


def setup_inputs(seed: int = 0) -> dict:
    key = jax.random.key(seed)
    k_idx, k_tab = jax.random.split(key)
    x = jax.random.randint(k_idx, (BATCH, HIST_LEN), 0, VOCAB, dtype=jnp.int64 if jax.config.jax_enable_x64 else jnp.int32)
    table = jax.random.normal(k_tab, (VOCAB, EMBED_DIM), dtype=jnp.float32)
    return {"x": x, "table": table}


def reference(x, table):
    # PretrainedEmbedding.forward: nn.Embedding lookup into frozen pretrained table
    return jnp.take(table, x, axis=0)

if __name__ == "__main__":
    import jax
    _d = setup_inputs()
    print(jax.jit(kernel)(*tuple(_d.values())))

</pallas_src>

<mosaic_0001>
#map = affine_map<(d0, d1) -> (0, 0, 0, 0)>
#map1 = affine_map<(d0, d1) -> (0, 0)>
module attributes {stable_mosaic.version = 14 : i64} {
  func.func @emb(%arg0: i32, %arg1: i32, %arg2: memref<32x100x1x256xi32, #tpu.memory_space<hbm>>, %arg3: memref<1000000x64xf32, #tpu.memory_space<hbm>>, %arg4: memref<819200x64xf32, #tpu.memory_space<hbm>>, %arg5: memref<100x1x256xi32, #tpu.memory_space<vmem>>, %arg6: memref<6x256x64xf32, #tpu.memory_space<vmem>>, %arg7: memref<!tpu.dma_semaphore, #tpu.memory_space<semaphore_mem>>, %arg8: memref<!tpu.dma_semaphore, #tpu.memory_space<semaphore_mem>>, %arg9: memref<!tpu.dma_semaphore, #tpu.memory_space<semaphore_mem>>, %arg10: memref<!tpu.dma_semaphore, #tpu.memory_space<semaphore_mem>>, %arg11: memref<!tpu.dma_semaphore, #tpu.memory_space<semaphore_mem>>, %arg12: memref<!tpu.dma_semaphore, #tpu.memory_space<semaphore_mem>>, %arg13: memref<!tpu.dma_semaphore, #tpu.memory_space<semaphore_mem>>, %arg14: memref<!tpu.dma_semaphore, #tpu.memory_space<semaphore_mem>>, %arg15: memref<!tpu.dma_semaphore, #tpu.memory_space<semaphore_mem>>, %arg16: memref<!tpu.dma_semaphore, #tpu.memory_space<semaphore_mem>>, %arg17: memref<!tpu.dma_semaphore, #tpu.memory_space<semaphore_mem>>, %arg18: memref<!tpu.dma_semaphore, #tpu.memory_space<semaphore_mem>>) attributes {dimension_semantics = [#tpu.dimension_semantics<core_parallel>, #tpu.dimension_semantics<subcore_parallel>], iteration_bounds = array<i64: 2, 16>, scalar_prefetch = 0 : i64, scratch_operands = 14 : i64, tpu.core_type = #tpu.core_type<sc_vector_subcore>, window_params = [{transform_indices = #map}, {transform_indices = #map1}, {transform_indices = #map1}]} {
    %mul3A = arith.constant 2 : i32
    %mul3A_0 = arith.muli %arg1, %mul3A : i32
    %add3A = arith.addi %mul3A_0, %arg0 : i32
    "tpu.region"() ({
      %run_scoped3A = tpu.sem_alloc : memref<!tpu.dma_semaphore, #tpu.memory_space<semaphore_mem>>
      %dma_start3A = arith.constant 0 : i32
      %dma_start3A_8 = arith.constant 0 : i32
      %dma_start3A_9 = arith.constant 0 : i32
      %dma_start3A_10 = tpu.memref_slice %arg2[%add3A, %dma_start3A, %dma_start3A_8, %dma_start3A_9] : memref<32x100x1x256xi32, #tpu.memory_space<hbm>> -> memref<1x100x1x256xi32, #tpu.memory_space<hbm>>
      %dma_start3A_11 = tpu.memref_squeeze %dma_start3A_10 : memref<1x100x1x256xi32, #tpu.memory_space<hbm>> -> memref<100x1x256xi32, #tpu.memory_space<hbm>>
      %dma_start3A_12 = arith.constant 0 : i32
      %dma_start3A_13 = arith.constant 0 : i32
      %dma_start3A_14 = arith.constant 0 : i32
      %dma_start3A_15 = tpu.memref_slice %arg2[%add3A, %dma_start3A_12, %dma_start3A_13, %dma_start3A_14] : memref<32x100x1x256xi32, #tpu.memory_space<hbm>> -> memref<1x100x1x256xi32, #tpu.memory_space<hbm>>
      %dma_start3A_16 = tpu.memref_squeeze %dma_start3A_15 : memref<1x100x1x256xi32, #tpu.memory_space<hbm>> -> memref<100x1x256xi32, #tpu.memory_space<hbm>>
      tpu.enqueue_dma source(%dma_start3A_16 : memref<100x1x256xi32, #tpu.memory_space<hbm>>) target(%arg5 : memref<100x1x256xi32, #tpu.memory_space<vmem>>) target_semaphore(%run_scoped3A : memref<!tpu.dma_semaphore, #tpu.memory_space<semaphore_mem>>)
      %dma_wait3A = arith.constant 0 : i32
      %dma_wait3A_17 = arith.constant 0 : i32
      %dma_wait3A_18 = arith.constant 0 : i32
      %dma_wait3A_19 = tpu.memref_slice %arg2[%add3A, %dma_wait3A, %dma_wait3A_17, %dma_wait3A_18] : memref<32x100x1x256xi32, #tpu.memory_space<hbm>> -> memref<1x100x1x256xi32, #tpu.memory_space<hbm>>
      %dma_wait3A_20 = tpu.memref_squeeze %dma_wait3A_19 : memref<1x100x1x256xi32, #tpu.memory_space<hbm>> -> memref<100x1x256xi32, #tpu.memory_space<hbm>>
      %dma_wait3A_21 = arith.constant 0 : i32
      %dma_wait3A_22 = arith.constant 0 : i32
      %dma_wait3A_23 = arith.constant 0 : i32
      %dma_wait3A_24 = tpu.memref_slice %arg2[%add3A, %dma_wait3A_21, %dma_wait3A_22, %dma_wait3A_23] : memref<32x100x1x256xi32, #tpu.memory_space<hbm>> -> memref<1x100x1x256xi32, #tpu.memory_space<hbm>>
      %dma_wait3A_25 = tpu.memref_squeeze %dma_wait3A_24 : memref<1x100x1x256xi32, #tpu.memory_space<hbm>> -> memref<100x1x256xi32, #tpu.memory_space<hbm>>
      tpu.wait_dma2 semaphore(%run_scoped3A : memref<!tpu.dma_semaphore, #tpu.memory_space<semaphore_mem>>) src(%dma_wait3A_25 : memref<100x1x256xi32, #tpu.memory_space<hbm>>) dst(%arg5 : memref<100x1x256xi32, #tpu.memory_space<vmem>>)
      tpu.yield
    }) : () -> ()
    %mul3A_1 = arith.constant 25600 : i32
    %mul3A_2 = arith.muli %add3A, %mul3A_1 : i32
    %scan3A = arith.constant 0 : i32
    %scan3A_3 = arith.constant 0 : i32
    %scan3A_4 = arith.constant 18 : i32
    %scan3A_5 = arith.addi %scan3A_3, %scan3A_4 : i32
    %scan3A_6 = arith.constant 1 : i32
    scf.for %scan3A_8 = %scan3A_3 to %scan3A_5 step %scan3A_6  : i32 {
      %mul3A_9 = arith.constant 6 : i32
      %mul3A_10 = arith.muli %scan3A_8, %mul3A_9 : i32
      %add3A_11 = arith.constant 0 : i32
      %add3A_12 = arith.addi %mul3A_10, %add3A_11 : i32
      %ge3A = arith.constant 6 : i32
      %ge3A_13 = arith.cmpi sge, %add3A_12, %ge3A : i32
      %lt3A = arith.constant 106 : i32
      %lt3A_14 = arith.cmpi slt, %add3A_12, %lt3A : i32
      %and3A = arith.andi %ge3A_13, %lt3A_14 : i1
      %convert_element_type3A = arith.extui %and3A : i1 to i32
      %cond3A = arith.constant 0 : i32
      %cond3A_15 = arith.cmpi ne, %convert_element_type3A, %cond3A : i32
      scf.if %cond3A_15 {
        %dma_wait3A = arith.constant 0 : i32
        %dma_wait3A_165 = arith.constant 0 : i32
        %dma_wait3A_166 = arith.constant 0 : i32
        %dma_wait3A_167 = tpu.memref_slice %arg6[%dma_wait3A, %dma_wait3A_165, %dma_wait3A_166] : memref<6x256x64xf32, #tpu.memory_space<vmem>> -> memref<1x256x64xf32, #tpu.memory_space<vmem>>
        %dma_wait3A_168 = tpu.memref_squeeze %dma_wait3A_167 : memref<1x256x64xf32, #tpu.memory_space<vmem>> -> memref<256x64xf32, #tpu.memory_space<vmem>>
        %dma_wait3A_169 = arith.constant 0 : i32
        %dma_wait3A_170 = arith.constant 0 : i32
        %dma_wait3A_171 = tpu.memref_slice %arg4[%dma_wait3A_169, %dma_wait3A_170] : memref<819200x64xf32, #tpu.memory_space<hbm>> -> memref<256x64xf32, #tpu.memory_space<hbm>>
        %dma_wait3A_172 = arith.constant 0 : i32
        %dma_wait3A_173 = arith.constant 0 : i32
        %dma_wait3A_174 = tpu.memref_slice %arg4[%dma_wait3A_172, %dma_wait3A_173] : memref<819200x64xf32, #tpu.memory_space<hbm>> -> memref<256x64xf32, #tpu.memory_space<hbm>>
        %dma_wait3A_175 = arith.constant 0 : i32
        %dma_wait3A_176 = arith.constant 0 : i32
        %dma_wait3A_177 = tpu.memref_slice %arg6[%dma_wait3A, %dma_wait3A_175, %dma_wait3A_176] : memref<6x256x64xf32, #tpu.memory_space<vmem>> -> memref<1x256x64xf32, #tpu.memory_space<vmem>>
        %dma_wait3A_178 = tpu.memref_squeeze %dma_wait3A_177 : memref<1x256x64xf32, #tpu.memory_space<vmem>> -> memref<256x64xf32, #tpu.memory_space<vmem>>
        tpu.wait_dma2 semaphore(%arg13 : memref<!tpu.dma_semaphore, #tpu.memory_space<semaphore_mem>>) src(%dma_wait3A_178 : memref<256x64xf32, #tpu.memory_space<vmem>>) dst(%dma_wait3A_174 : memref<256x64xf32, #tpu.memory_space<hbm>>)
      } else {
      }
      %lt3A_16 = arith.constant 100 : i32
      %lt3A_17 = arith.cmpi slt, %add3A_12, %lt3A_16 : i32
      %convert_element_type3A_18 = arith.extui %lt3A_17 : i1 to i32
      %cond3A_19 = arith.constant 0 : i32
      %cond3A_20 = arith.cmpi ne, %convert_element_type3A_18, %cond3A_19 : i32
      scf.if %cond3A_20 {
        %dma_start3A = arith.constant 0 : i32
        %dma_start3A_165 = arith.constant 0 : i32
        %dma_start3A_166 = arith.constant 0 : i32
        %dma_start3A_167 = arith.constant 0 : i32
        %dma_start3A_168 = tpu.memref_slice %arg6[%dma_start3A_165, %dma_start3A_166, %dma_start3A_167] : memref<6x256x64xf32, #tpu.memory_space<vmem>> -> memref<1x256x64xf32, #tpu.memory_space<vmem>>
        %dma_start3A_169 = tpu.memref_squeeze %dma_start3A_168 : memref<1x256x64xf32, #tpu.memory_space<vmem>> -> memref<256x64xf32, #tpu.memory_space<vmem>>
        %dma_start3A_170 = arith.constant 0 : i32
        %dma_start3A_171 = tpu.memref_slice %arg5[%add3A_12, %dma_start3A, %dma_start3A_170] : memref<100x1x256xi32, #tpu.memory_space<vmem>> -> memref<1x1x256xi32, #tpu.memory_space<vmem>>
        %dma_start3A_172 = tpu.memref_squeeze %dma_start3A_171 : memref<1x1x256xi32, #tpu.memory_space<vmem>> -> memref<256xi32, #tpu.memory_space<vmem>>
        %dma_start3A_173 = arith.constant 0 : i32
        %dma_start3A_174 = arith.constant 0 : i32
        %dma_start3A_175 = tpu.memref_slice %arg3[%dma_start3A_173, %dma_start3A_174] : memref<1000000x64xf32, #tpu.memory_space<hbm>> -> memref<1000000x64xf32, #tpu.memory_space<hbm>>
        tpu.enqueue_indirect_dma source(%dma_start3A_175 : memref<1000000x64xf32, #tpu.memory_space<hbm>>) target(%dma_start3A_169 : memref<256x64xf32, #tpu.memory_space<vmem>>) offsets(%dma_start3A_172 : memref<256xi32, #tpu.memory_space<vmem>>) semaphore(%arg7 : memref<!tpu.dma_semaphore, #tpu.memory_space<semaphore_mem>>)
      } else {
      }
      %sub3A = arith.constant 2 : i32
      %sub3A_21 = arith.subi %add3A_12, %sub3A : i32
      %ge3A_22 = arith.constant 0 : i32
      %ge3A_23 = arith.cmpi sge, %sub3A_21, %ge3A_22 : i32
      %lt3A_24 = arith.constant 100 : i32
      %lt3A_25 = arith.cmpi slt, %sub3A_21, %lt3A_24 : i32
      %and3A_26 = arith.andi %ge3A_23, %lt3A_25 : i1
      %convert_element_type3A_27 = arith.extui %and3A_26 : i1 to i32
      %cond3A_28 = arith.constant 0 : i32
      %cond3A_29 = arith.cmpi ne, %convert_element_type3A_27, %cond3A_28 : i32
      scf.if %cond3A_29 {
        %dma_wait3A = arith.constant 4 : i32
        %dma_wait3A_165 = arith.constant 0 : i32
        %dma_wait3A_166 = arith.constant 0 : i32
        %dma_wait3A_167 = tpu.memref_slice %arg6[%dma_wait3A, %dma_wait3A_165, %dma_wait3A_166] : memref<6x256x64xf32, #tpu.memory_space<vmem>> -> memref<1x256x64xf32, #tpu.memory_space<vmem>>
        %dma_wait3A_168 = tpu.memref_squeeze %dma_wait3A_167 : memref<1x256x64xf32, #tpu.memory_space<vmem>> -> memref<256x64xf32, #tpu.memory_space<vmem>>
        %dma_wait3A_169 = arith.constant 0 : i32
        %dma_wait3A_170 = arith.constant 0 : i32
        %dma_wait3A_171 = tpu.memref_slice %arg4[%dma_wait3A_169, %dma_wait3A_170] : memref<819200x64xf32, #tpu.memory_space<hbm>> -> memref<256x64xf32, #tpu.memory_space<hbm>>
        %dma_wait3A_172 = arith.constant 0 : i32
        %dma_wait3A_173 = arith.constant 0 : i32
        %dma_wait3A_174 = tpu.memref_slice %arg6[%dma_wait3A, %dma_wait3A_172, %dma_wait3A_173] : memref<6x256x64xf32, #tpu.memory_space<vmem>> -> memref<1x256x64xf32, #tpu.memory_space<vmem>>
        %dma_wait3A_175 = tpu.memref_squeeze %dma_wait3A_174 : memref<1x256x64xf32, #tpu.memory_space<vmem>> -> memref<256x64xf32, #tpu.memory_space<vmem>>
        %dma_wait3A_176 = arith.constant 0 : i32
        %dma_wait3A_177 = arith.constant 0 : i32
        %dma_wait3A_178 = tpu.memref_slice %arg4[%dma_wait3A_176, %dma_wait3A_177] : memref<819200x64xf32, #tpu.memory_space<hbm>> -> memref<256x64xf32, #tpu.memory_space<hbm>>
        tpu.wait_dma2 semaphore(%arg11 : memref<!tpu.dma_semaphore, #tpu.memory_space<semaphore_mem>>) src(%dma_wait3A_178 : memref<256x64xf32, #tpu.memory_space<hbm>>) dst(%dma_wait3A_175 : memref<256x64xf32, #tpu.memory_space<vmem>>)
        %mul3A_179 = arith.constant 256 : i32
        %mul3A_180 = arith.muli %sub3A_21, %mul3A_179 : i32
        %add3A_181 = arith.addi %mul3A_2, %mul3A_180 : i32
        %dma_start3A = arith.constant 4 : i32
        %dma_start3A_182 = arith.constant 0 : i32
        %dma_start3A_183 = arith.constant 0 : i32
        %dma_start3A_184 = tpu.memref_slice %arg6[%dma_start3A, %dma_start3A_182, %dma_start3A_183] : memref<6x256x64xf32, #tpu.memory_space<vmem>> -> memref<1x256x64xf32, #tpu.memory_space<vmem>>
        %dma_start3A_185 = tpu.memref_squeeze %dma_start3A_184 : memref<1x256x64xf32, #tpu.memory_space<vmem>> -> memref<256x64xf32, #tpu.memory_space<vmem>>
        %dma_start3A_186 = arith.constant 0 : i32
        %dma_start3A_187 = tpu.memref_slice %arg4[%add3A_181, %dma_start3A_186] : memref<819200x64xf32, #tpu.memory_space<hbm>> -> memref<256x64xf32, #tpu.memory_space<hbm>>
        %dma_start3A_188 = arith.constant 0 : i32
        %dma_start3A_189 = tpu.memref_slice %arg4[%add3A_181, %dma_start3A_188] : memref<819200x64xf32, #tpu.memory_space<hbm>> -> memref<256x64xf32, #tpu.memory_space<hbm>>
        %dma_start3A_190 = arith.constant 0 : i32
        %dma_start3A_191 = arith.constant 0 : i32
        %dma_start3A_192 = tpu.memref_slice %arg6[%dma_start3A, %dma_start3A_190, %dma_start3A_191] : memref<6x256x64xf32, #tpu.memory_space<vmem>> -> memref<1x256x64xf32, #tpu.memory_space<vmem>>
        %dma_start3A_193 = tpu.memref_squeeze %dma_start3A_192 : memref<1x256x64xf32, #tpu.memory_space<vmem>> -> memref<256x64xf32, #tpu.memory_space<vmem>>
        tpu.enqueue_dma source(%dma_start3A_193 : memref<256x64xf32, #tpu.memory_space<vmem>>) target(%dma_start3A_189 : memref<256x64xf32, #tpu.memory_space<hbm>>) target_semaphore(%arg17 : memref<!tpu.dma_semaphore, #tpu.memory_space<semaphore_mem>>)
      } else {
      }
      %mul3A_30 = arith.constant 6 : i32
      %mul3A_31 = arith.muli %scan3A_8, %mul3A_30 : i32
      %add3A_32 = arith.constant 1 : i32
      %add3A_33 = arith.addi %mul3A_31, %add3A_32 : i32
      %ge3A_34 = arith.constant 6 : i32
      %ge3A_35 = arith.cmpi sge, %add3A_33, %ge3A_34 : i32
      %lt3A_36 = arith.constant 106 : i32
      %lt3A_37 = arith.cmpi slt, %add3A_33, %lt3A_36 : i32
      %and3A_38 = arith.andi %ge3A_35, %lt3A_37 : i1
      %convert_element_type3A_39 = arith.extui %and3A_38 : i1 to i32
      %cond3A_40 = arith.constant 0 : i32
      %cond3A_41 = arith.cmpi ne, %convert_element_type3A_39, %cond3A_40 : i32
      scf.if %cond3A_41 {
        %dma_wait3A = arith.constant 1 : i32
        %dma_wait3A_165 = arith.constant 0 : i32
        %dma_wait3A_166 = arith.constant 0 : i32
        %dma_wait3A_167 = tpu.memref_slice %arg6[%dma_wait3A, %dma_wait3A_165, %dma_wait3A_166] : memref<6x256x64xf32, #tpu.memory_space<vmem>> -> memref<1x256x64xf32, #tpu.memory_space<vmem>>
        %dma_wait3A_168 = tpu.memref_squeeze %dma_wait3A_167 : memref<1x256x64xf32, #tpu.memory_space<vmem>> -> memref<256x64xf32, #tpu.memory_space<vmem>>
        %dma_wait3A_169 = arith.constant 0 : i32
        %dma_wait3A_170 = arith.constant 0 : i32
        %dma_wait3A_171 = tpu.memref_slice %arg4[%dma_wait3A_169, %dma_wait3A_170] : memref<819200x64xf32, #tpu.memory_space<hbm>> -> memref<256x64xf32, #tpu.memory_space<hbm>>
        %dma_wait3A_172 = arith.constant 0 : i32
        %dma_wait3A_173 = arith.constant 0 : i32
        %dma_wait3A_174 = tpu.memref_slice %arg4[%dma_wait3A_172, %dma_wait3A_173] : memref<819200x64xf32, #tpu.memory_space<hbm>> -> memref<256x64xf32, #tpu.memory_space<hbm>>
        %dma_wait3A_175 = arith.constant 0 : i32
        %dma_wait3A_176 = arith.constant 0 : i32
        %dma_wait3A_177 = tpu.memref_slice %arg6[%dma_wait3A, %dma_wait3A_175, %dma_wait3A_176] : memref<6x256x64xf32, #tpu.memory_space<vmem>> -> memref<1x256x64xf32, #tpu.memory_space<vmem>>
        %dma_wait3A_178 = tpu.memref_squeeze %dma_wait3A_177 : memref<1x256x64xf32, #tpu.memory_space<vmem>> -> memref<256x64xf32, #tpu.memory_space<vmem>>
        tpu.wait_dma2 semaphore(%arg14 : memref<!tpu.dma_semaphore, #tpu.memory_space<semaphore_mem>>) src(%dma_wait3A_178 : memref<256x64xf32, #tpu.memory_space<vmem>>) dst(%dma_wait3A_174 : memref<256x64xf32, #tpu.memory_space<hbm>>)
      } else {
      }
      %lt3A_42 = arith.constant 100 : i32
      %lt3A_43 = arith.cmpi slt, %add3A_33, %lt3A_42 : i32
      %convert_element_type3A_44 = arith.extui %lt3A_43 : i1 to i32
      %cond3A_45 = arith.constant 0 : i32
      %cond3A_46 = arith.cmpi ne, %convert_element_type3A_44, %cond3A_45 : i32
      scf.if %cond3A_46 {
        %dma_start3A = arith.constant 0 : i32
        %dma_start3A_165 = arith.constant 1 : i32
        %dma_start3A_166 = arith.constant 0 : i32
        %dma_start3A_167 = arith.constant 0 : i32
        %dma_start3A_168 = tpu.memref_slice %arg6[%dma_start3A_165, %dma_start3A_166, %dma_start3A_167] : memref<6x256x64xf32, #tpu.memory_space<vmem>> -> memref<1x256x64xf32, #tpu.memory_space<vmem>>
        %dma_start3A_169 = tpu.memref_squeeze %dma_start3A_168 : memref<1x256x64xf32, #tpu.memory_space<vmem>> -> memref<256x64xf32, #tpu.memory_space<vmem>>
        %dma_start3A_170 = arith.constant 0 : i32
        %dma_start3A_171 = tpu.memref_slice %arg5[%add3A_33, %dma_start3A, %dma_start3A_170] : memref<100x1x256xi32, #tpu.memory_space<vmem>> -> memref<1x1x256xi32, #tpu.memory_space<vmem>>
        %dma_start3A_172 = tpu.memref_squeeze %dma_start3A_171 : memref<1x1x256xi32, #tpu.memory_space<vmem>> -> memref<256xi32, #tpu.memory_space<vmem>>
        %dma_start3A_173 = arith.constant 0 : i32
        %dma_start3A_174 = arith.constant 0 : i32
        %dma_start3A_175 = tpu.memref_slice %arg3[%dma_start3A_173, %dma_start3A_174] : memref<1000000x64xf32, #tpu.memory_space<hbm>> -> memref<1000000x64xf32, #tpu.memory_space<hbm>>
        tpu.enqueue_indirect_dma source(%dma_start3A_175 : memref<1000000x64xf32, #tpu.memory_space<hbm>>) target(%dma_start3A_169 : memref<256x64xf32, #tpu.memory_space<vmem>>) offsets(%dma_start3A_172 : memref<256xi32, #tpu.memory_space<vmem>>) semaphore(%arg8 : memref<!tpu.dma_semaphore, #tpu.memory_space<semaphore_mem>>)
      } else {
      }
      %sub3A_47 = arith.constant 2 : i32
      %sub3A_48 = arith.subi %add3A_33, %sub3A_47 : i32
      %ge3A_49 = arith.constant 0 : i32
      %ge3A_50 = arith.cmpi sge, %sub3A_48, %ge3A_49 : i32
      %lt3A_51 = arith.constant 100 : i32
      %lt3A_52 = arith.cmpi slt, %sub3A_48, %lt3A_51 : i32
      %and3A_53 = arith.andi %ge3A_50, %lt3A_52 : i1
      %convert_element_type3A_54 = arith.extui %and3A_53 : i1 to i32
      %cond3A_55 = arith.constant 0 : i32
      %cond3A_56 = arith.cmpi ne, %convert_element_type3A_54, %cond3A_55 : i32
      scf.if %cond3A_56 {
        %dma_wait3A = arith.constant 5 : i32
        %dma_wait3A_165 = arith.constant 0 : i32
        %dma_wait3A_166 = arith.constant 0 : i32
        %dma_wait3A_167 = tpu.memref_slice %arg6[%dma_wait3A, %dma_wait3A_165, %dma_wait3A_166] : memref<6x256x64xf32, #tpu.memory_space<vmem>> -> memref<1x256x64xf32, #tpu.memory_space<vmem>>
        %dma_wait3A_168 = tpu.memref_squeeze %dma_wait3A_167 : memref<1x256x64xf32, #tpu.memory_space<vmem>> -> memref<256x64xf32, #tpu.memory_space<vmem>>
        %dma_wait3A_169 = arith.constant 0 : i32
        %dma_wait3A_170 = arith.constant 0 : i32
        %dma_wait3A_171 = tpu.memref_slice %arg4[%dma_wait3A_169, %dma_wait3A_170] : memref<819200x64xf32, #tpu.memory_space<hbm>> -> memref<256x64xf32, #tpu.memory_space<hbm>>
        %dma_wait3A_172 = arith.constant 0 : i32
        %dma_wait3A_173 = arith.constant 0 : i32
        %dma_wait3A_174 = tpu.memref_slice %arg6[%dma_wait3A, %dma_wait3A_172, %dma_wait3A_173] : memref<6x256x64xf32, #tpu.memory_space<vmem>> -> memref<1x256x64xf32, #tpu.memory_space<vmem>>
        %dma_wait3A_175 = tpu.memref_squeeze %dma_wait3A_174 : memref<1x256x64xf32, #tpu.memory_space<vmem>> -> memref<256x64xf32, #tpu.memory_space<vmem>>
        %dma_wait3A_176 = arith.constant 0 : i32
        %dma_wait3A_177 = arith.constant 0 : i32
        %dma_wait3A_178 = tpu.memref_slice %arg4[%dma_wait3A_176, %dma_wait3A_177] : memref<819200x64xf32, #tpu.memory_space<hbm>> -> memref<256x64xf32, #tpu.memory_space<hbm>>
        tpu.wait_dma2 semaphore(%arg12 : memref<!tpu.dma_semaphore, #tpu.memory_space<semaphore_mem>>) src(%dma_wait3A_178 : memref<256x64xf32, #tpu.memory_space<hbm>>) dst(%dma_wait3A_175 : memref<256x64xf32, #tpu.memory_space<vmem>>)
        %mul3A_179 = arith.constant 256 : i32
        %mul3A_180 = arith.muli %sub3A_48, %mul3A_179 : i32
        %add3A_181 = arith.addi %mul3A_2, %mul3A_180 : i32
        %dma_start3A = arith.constant 5 : i32
        %dma_start3A_182 = arith.constant 0 : i32
        %dma_start3A_183 = arith.constant 0 : i32
        %dma_start3A_184 = tpu.memref_slice %arg6[%dma_start3A, %dma_start3A_182, %dma_start3A_183] : memref<6x256x64xf32, #tpu.memory_space<vmem>> -> memref<1x256x64xf32, #tpu.memory_space<vmem>>
        %dma_start3A_185 = tpu.memref_squeeze %dma_start3A_184 : memref<1x256x64xf32, #tpu.memory_space<vmem>> -> memref<256x64xf32, #tpu.memory_space<vmem>>
        %dma_start3A_186 = arith.constant 0 : i32
        %dma_start3A_187 = tpu.memref_slice %arg4[%add3A_181, %dma_start3A_186] : memref<819200x64xf32, #tpu.memory_space<hbm>> -> memref<256x64xf32, #tpu.memory_space<hbm>>
        %dma_start3A_188 = arith.constant 0 : i32
        %dma_start3A_189 = tpu.memref_slice %arg4[%add3A_181, %dma_start3A_188] : memref<819200x64xf32, #tpu.memory_space<hbm>> -> memref<256x64xf32, #tpu.memory_space<hbm>>
        %dma_start3A_190 = arith.constant 0 : i32
        %dma_start3A_191 = arith.constant 0 : i32
        %dma_start3A_192 = tpu.memref_slice %arg6[%dma_start3A, %dma_start3A_190, %dma_start3A_191] : memref<6x256x64xf32, #tpu.memory_space<vmem>> -> memref<1x256x64xf32, #tpu.memory_space<vmem>>
        %dma_start3A_193 = tpu.memref_squeeze %dma_start3A_192 : memref<1x256x64xf32, #tpu.memory_space<vmem>> -> memref<256x64xf32, #tpu.memory_space<vmem>>
        tpu.enqueue_dma source(%dma_start3A_193 : memref<256x64xf32, #tpu.memory_space<vmem>>) target(%dma_start3A_189 : memref<256x64xf32, #tpu.memory_space<hbm>>) target_semaphore(%arg18 : memref<!tpu.dma_semaphore, #tpu.memory_space<semaphore_mem>>)
      } else {
      }
      %mul3A_57 = arith.constant 6 : i32
      %mul3A_58 = arith.muli %scan3A_8, %mul3A_57 : i32
      %add3A_59 = arith.constant 2 : i32
      %add3A_60 = arith.addi %mul3A_58, %add3A_59 : i32
      %ge3A_61 = arith.constant 6 : i32
      %ge3A_62 = arith.cmpi sge, %add3A_60, %ge3A_61 : i32
      %lt3A_63 = arith.constant 106 : i32
      %lt3A_64 = arith.cmpi slt, %add3A_60, %lt3A_63 : i32
      %and3A_65 = arith.andi %ge3A_62, %lt3A_64 : i1
      %convert_element_type3A_66 = arith.extui %and3A_65 : i1 to i32
      %cond3A_67 = arith.constant 0 : i32
      %cond3A_68 = arith.cmpi ne, %convert_element_type3A_66, %cond3A_67 : i32
      scf.if %cond3A_68 {
        %dma_wait3A = arith.constant 2 : i32
        %dma_wait3A_165 = arith.constant 0 : i32
        %dma_wait3A_166 = arith.constant 0 : i32
        %dma_wait3A_167 = tpu.memref_slice %arg6[%dma_wait3A, %dma_wait3A_165, %dma_wait3A_166] : memref<6x256x64xf32, #tpu.memory_space<vmem>> -> memref<1x256x64xf32, #tpu.memory_space<vmem>>
        %dma_wait3A_168 = tpu.memref_squeeze %dma_wait3A_167 : memref<1x256x64xf32, #tpu.memory_space<vmem>> -> memref<256x64xf32, #tpu.memory_space<vmem>>
        %dma_wait3A_169 = arith.constant 0 : i32
        %dma_wait3A_170 = arith.constant 0 : i32
        %dma_wait3A_171 = tpu.memref_slice %arg4[%dma_wait3A_169, %dma_wait3A_170] : memref<819200x64xf32, #tpu.memory_space<hbm>> -> memref<256x64xf32, #tpu.memory_space<hbm>>
        %dma_wait3A_172 = arith.constant 0 : i32
        %dma_wait3A_173 = arith.constant 0 : i32
        %dma_wait3A_174 = tpu.memref_slice %arg4[%dma_wait3A_172, %dma_wait3A_173] : memref<819200x64xf32, #tpu.memory_space<hbm>> -> memref<256x64xf32, #tpu.memory_space<hbm>>
        %dma_wait3A_175 = arith.constant 0 : i32
        %dma_wait3A_176 = arith.constant 0 : i32
        %dma_wait3A_177 = tpu.memref_slice %arg6[%dma_wait3A, %dma_wait3A_175, %dma_wait3A_176] : memref<6x256x64xf32, #tpu.memory_space<vmem>> -> memref<1x256x64xf32, #tpu.memory_space<vmem>>
        %dma_wait3A_178 = tpu.memref_squeeze %dma_wait3A_177 : memref<1x256x64xf32, #tpu.memory_space<vmem>> -> memref<256x64xf32, #tpu.memory_space<vmem>>
        tpu.wait_dma2 semaphore(%arg15 : memref<!tpu.dma_semaphore, #tpu.memory_space<semaphore_mem>>) src(%dma_wait3A_178 : memref<256x64xf32, #tpu.memory_space<vmem>>) dst(%dma_wait3A_174 : memref<256x64xf32, #tpu.memory_space<hbm>>)
      } else {
      }
      %lt3A_69 = arith.constant 100 : i32
      %lt3A_70 = arith.cmpi slt, %add3A_60, %lt3A_69 : i32
      %convert_element_type3A_71 = arith.extui %lt3A_70 : i1 to i32
      %cond3A_72 = arith.constant 0 : i32
      %cond3A_73 = arith.cmpi ne, %convert_element_type3A_71, %cond3A_72 : i32
      scf.if %cond3A_73 {
        %dma_start3A = arith.constant 0 : i32
        %dma_start3A_165 = arith.constant 2 : i32
        %dma_start3A_166 = arith.constant 0 : i32
        %dma_start3A_167 = arith.constant 0 : i32
        %dma_start3A_168 = tpu.memref_slice %arg6[%dma_start3A_165, %dma_start3A_166, %dma_start3A_167] : memref<6x256x64xf32, #tpu.memory_space<vmem>> -> memref<1x256x64xf32, #tpu.memory_space<vmem>>
        %dma_start3A_169 = tpu.memref_squeeze %dma_start3A_168 : memref<1x256x64xf32, #tpu.memory_space<vmem>> -> memref<256x64xf32, #tpu.memory_space<vmem>>
        %dma_start3A_170 = arith.constant 0 : i32
        %dma_start3A_171 = tpu.memref_slice %arg5[%add3A_60, %dma_start3A, %dma_start3A_170] : memref<100x1x256xi32, #tpu.memory_space<vmem>> -> memref<1x1x256xi32, #tpu.memory_space<vmem>>
        %dma_start3A_172 = tpu.memref_squeeze %dma_start3A_171 : memref<1x1x256xi32, #tpu.memory_space<vmem>> -> memref<256xi32, #tpu.memory_space<vmem>>
        %dma_start3A_173 = arith.constant 0 : i32
        %dma_start3A_174 = arith.constant 0 : i32
        %dma_start3A_175 = tpu.memref_slice %arg3[%dma_start3A_173, %dma_start3A_174] : memref<1000000x64xf32, #tpu.memory_space<hbm>> -> memref<1000000x64xf32, #tpu.memory_space<hbm>>
        tpu.enqueue_indirect_dma source(%dma_start3A_175 : memref<1000000x64xf32, #tpu.memory_space<hbm>>) target(%dma_start3A_169 : memref<256x64xf32, #tpu.memory_space<vmem>>) offsets(%dma_start3A_172 : memref<256xi32, #tpu.memory_space<vmem>>) semaphore(%arg9 : memref<!tpu.dma_semaphore, #tpu.memory_space<semaphore_mem>>)
      } else {
      }
      %sub3A_74 = arith.constant 2 : i32
      %sub3A_75 = arith.subi %add3A_60, %sub3A_74 : i32
      %ge3A_76 = arith.constant 0 : i32
      %ge3A_77 = arith.cmpi sge, %sub3A_75, %ge3A_76 : i32
      %lt3A_78 = arith.constant 100 : i32
      %lt3A_79 = arith.cmpi slt, %sub3A_75, %lt3A_78 : i32
      %and3A_80 = arith.andi %ge3A_77, %lt3A_79 : i1
      %convert_element_type3A_81 = arith.extui %and3A_80 : i1 to i32
      %cond3A_82 = arith.constant 0 : i32
      %cond3A_83 = arith.cmpi ne, %convert_element_type3A_81, %cond3A_82 : i32
      scf.if %cond3A_83 {
        %dma_wait3A = arith.constant 0 : i32
        %dma_wait3A_165 = arith.constant 0 : i32
        %dma_wait3A_166 = arith.constant 0 : i32
        %dma_wait3A_167 = tpu.memref_slice %arg6[%dma_wait3A, %dma_wait3A_165, %dma_wait3A_166] : memref<6x256x64xf32, #tpu.memory_space<vmem>> -> memref<1x256x64xf32, #tpu.memory_space<vmem>>
        %dma_wait3A_168 = tpu.memref_squeeze %dma_wait3A_167 : memref<1x256x64xf32, #tpu.memory_space<vmem>> -> memref<256x64xf32, #tpu.memory_space<vmem>>
        %dma_wait3A_169 = arith.constant 0 : i32
        %dma_wait3A_170 = arith.constant 0 : i32
        %dma_wait3A_171 = tpu.memref_slice %arg4[%dma_wait3A_169, %dma_wait3A_170] : memref<819200x64xf32, #tpu.memory_space<hbm>> -> memref<256x64xf32, #tpu.memory_space<hbm>>
        %dma_wait3A_172 = arith.constant 0 : i32
        %dma_wait3A_173 = arith.constant 0 : i32
        %dma_wait3A_174 = tpu.memref_slice %arg6[%dma_wait3A, %dma_wait3A_172, %dma_wait3A_173] : memref<6x256x64xf32, #tpu.memory_space<vmem>> -> memref<1x256x64xf32, #tpu.memory_space<vmem>>
        %dma_wait3A_175 = tpu.memref_squeeze %dma_wait3A_174 : memref<1x256x64xf32, #tpu.memory_space<vmem>> -> memref<256x64xf32, #tpu.memory_space<vmem>>
        %dma_wait3A_176 = arith.constant 0 : i32
        %dma_wait3A_177 = arith.constant 0 : i32
        %dma_wait3A_178 = tpu.memref_slice %arg4[%dma_wait3A_176, %dma_wait3A_177] : memref<819200x64xf32, #tpu.memory_space<hbm>> -> memref<256x64xf32, #tpu.memory_space<hbm>>
        tpu.wait_dma2 semaphore(%arg7 : memref<!tpu.dma_semaphore, #tpu.memory_space<semaphore_mem>>) src(%dma_wait3A_178 : memref<256x64xf32, #tpu.memory_space<hbm>>) dst(%dma_wait3A_175 : memref<256x64xf32, #tpu.memory_space<vmem>>)
        %mul3A_179 = arith.constant 256 : i32
        %mul3A_180 = arith.muli %sub3A_75, %mul3A_179 : i32
        %add3A_181 = arith.addi %mul3A_2, %mul3A_180 : i32
        %dma_start3A = arith.constant 0 : i32
        %dma_start3A_182 = arith.constant 0 : i32
        %dma_start3A_183 = arith.constant 0 : i32
        %dma_start3A_184 = tpu.memref_slice %arg6[%dma_start3A, %dma_start3A_182, %dma_start3A_183] : memref<6x256x64xf32, #tpu.memory_space<vmem>> -> memref<1x256x64xf32, #tpu.memory_space<vmem>>
        %dma_start3A_185 = tpu.memref_squeeze %dma_start3A_184 : memref<1x256x64xf32, #tpu.memory_space<vmem>> -> memref<256x64xf32, #tpu.memory_space<vmem>>
        %dma_start3A_186 = arith.constant 0 : i32
        %dma_start3A_187 = tpu.memref_slice %arg4[%add3A_181, %dma_start3A_186] : memref<819200x64xf32, #tpu.memory_space<hbm>> -> memref<256x64xf32, #tpu.memory_space<hbm>>
        %dma_start3A_188 = arith.constant 0 : i32
        %dma_start3A_189 = tpu.memref_slice %arg4[%add3A_181, %dma_start3A_188] : memref<819200x64xf32, #tpu.memory_space<hbm>> -> memref<256x64xf32, #tpu.memory_space<hbm>>
        %dma_start3A_190 = arith.constant 0 : i32
        %dma_start3A_191 = arith.constant 0 : i32
        %dma_start3A_192 = tpu.memref_slice %arg6[%dma_start3A, %dma_start3A_190, %dma_start3A_191] : memref<6x256x64xf32, #tpu.memory_space<vmem>> -> memref<1x256x64xf32, #tpu.memory_space<vmem>>
        %dma_start3A_193 = tpu.memref_squeeze %dma_start3A_192 : memref<1x256x64xf32, #tpu.memory_space<vmem>> -> memref<256x64xf32, #tpu.memory_space<vmem>>
        tpu.enqueue_dma source(%dma_start3A_193 : memref<256x64xf32, #tpu.memory_space<vmem>>) target(%dma_start3A_189 : memref<256x64xf32, #tpu.memory_space<hbm>>) target_semaphore(%arg13 : memref<!tpu.dma_semaphore, #tpu.memory_space<semaphore_mem>>)
      } else {
      }
      %mul3A_84 = arith.constant 6 : i32
      %mul3A_85 = arith.muli %scan3A_8, %mul3A_84 : i32
      %add3A_86 = arith.constant 3 : i32
      %add3A_87 = arith.addi %mul3A_85, %add3A_86 : i32
      %ge3A_88 = arith.constant 6 : i32
      %ge3A_89 = arith.cmpi sge, %add3A_87, %ge3A_88 : i32
      %lt3A_90 = arith.constant 106 : i32
      %lt3A_91 = arith.cmpi slt, %add3A_87, %lt3A_90 : i32
      %and3A_92 = arith.andi %ge3A_89, %lt3A_91 : i1
      %convert_element_type3A_93 = arith.extui %and3A_92 : i1 to i32
      %cond3A_94 = arith.constant 0 : i32
      %cond3A_95 = arith.cmpi ne, %convert_element_type3A_93, %cond3A_94 : i32
      scf.if %cond3A_95 {
        %dma_wait3A = arith.constant 3 : i32
        %dma_wait3A_165 = arith.constant 0 : i32
        %dma_wait3A_166 = arith.constant 0 : i32
        %dma_wait3A_167 = tpu.memref_slice %arg6[%dma_wait3A, %dma_wait3A_165, %dma_wait3A_166] : memref<6x256x64xf32, #tpu.memory_space<vmem>> -> memref<1x256x64xf32, #tpu.memory_space<vmem>>
        %dma_wait3A_168 = tpu.memref_squeeze %dma_wait3A_167 : memref<1x256x64xf32, #tpu.memory_space<vmem>> -> memref<256x64xf32, #tpu.memory_space<vmem>>
        %dma_wait3A_169 = arith.constant 0 : i32
        %dma_wait3A_170 = arith.constant 0 : i32
        %dma_wait3A_171 = tpu.memref_slice %arg4[%dma_wait3A_169, %dma_wait3A_170] : memref<819200x64xf32, #tpu.memory_space<hbm>> -> memref<256x64xf32, #tpu.memory_space<hbm>>
        %dma_wait3A_172 = arith.constant 0 : i32
        %dma_wait3A_173 = arith.constant 0 : i32
        %dma_wait3A_174 = tpu.memref_slice %arg4[%dma_wait3A_172, %dma_wait3A_173] : memref<819200x64xf32, #tpu.memory_space<hbm>> -> memref<256x64xf32, #tpu.memory_space<hbm>>
        %dma_wait3A_175 = arith.constant 0 : i32
        %dma_wait3A_176 = arith.constant 0 : i32
        %dma_wait3A_177 = tpu.memref_slice %arg6[%dma_wait3A, %dma_wait3A_175, %dma_wait3A_176] : memref<6x256x64xf32, #tpu.memory_space<vmem>> -> memref<1x256x64xf32, #tpu.memory_space<vmem>>
        %dma_wait3A_178 = tpu.memref_squeeze %dma_wait3A_177 : memref<1x256x64xf32, #tpu.memory_space<vmem>> -> memref<256x64xf32, #tpu.memory_space<vmem>>
        tpu.wait_dma2 semaphore(%arg16 : memref<!tpu.dma_semaphore, #tpu.memory_space<semaphore_mem>>) src(%dma_wait3A_178 : memref<256x64xf32, #tpu.memory_space<vmem>>) dst(%dma_wait3A_174 : memref<256x64xf32, #tpu.memory_space<hbm>>)
      } else {
      }
      %lt3A_96 = arith.constant 100 : i32
      %lt3A_97 = arith.cmpi slt, %add3A_87, %lt3A_96 : i32
      %convert_element_type3A_98 = arith.extui %lt3A_97 : i1 to i32
      %cond3A_99 = arith.constant 0 : i32
      %cond3A_100 = arith.cmpi ne, %convert_element_type3A_98, %cond3A_99 : i32
      scf.if %cond3A_100 {
        %dma_start3A = arith.constant 0 : i32
        %dma_start3A_165 = arith.constant 3 : i32
        %dma_start3A_166 = arith.constant 0 : i32
        %dma_start3A_167 = arith.constant 0 : i32
        %dma_start3A_168 = tpu.memref_slice %arg6[%dma_start3A_165, %dma_start3A_166, %dma_start3A_167] : memref<6x256x64xf32, #tpu.memory_space<vmem>> -> memref<1x256x64xf32, #tpu.memory_space<vmem>>
        %dma_start3A_169 = tpu.memref_squeeze %dma_start3A_168 : memref<1x256x64xf32, #tpu.memory_space<vmem>> -> memref<256x64xf32, #tpu.memory_space<vmem>>
        %dma_start3A_170 = arith.constant 0 : i32
        %dma_start3A_171 = tpu.memref_slice %arg5[%add3A_87, %dma_start3A, %dma_start3A_170] : memref<100x1x256xi32, #tpu.memory_space<vmem>> -> memref<1x1x256xi32, #tpu.memory_space<vmem>>
        %dma_start3A_172 = tpu.memref_squeeze %dma_start3A_171 : memref<1x1x256xi32, #tpu.memory_space<vmem>> -> memref<256xi32, #tpu.memory_space<vmem>>
        %dma_start3A_173 = arith.constant 0 : i32
        %dma_start3A_174 = arith.constant 0 : i32
        %dma_start3A_175 = tpu.memref_slice %arg3[%dma_start3A_173, %dma_start3A_174] : memref<1000000x64xf32, #tpu.memory_space<hbm>> -> memref<1000000x64xf32, #tpu.memory_space<hbm>>
        tpu.enqueue_indirect_dma source(%dma_start3A_175 : memref<1000000x64xf32, #tpu.memory_space<hbm>>) target(%dma_start3A_169 : memref<256x64xf32, #tpu.memory_space<vmem>>) offsets(%dma_start3A_172 : memref<256xi32, #tpu.memory_space<vmem>>) semaphore(%arg10 : memref<!tpu.dma_semaphore, #tpu.memory_space<semaphore_mem>>)
      } else {
      }
      %sub3A_101 = arith.constant 2 : i32
      %sub3A_102 = arith.subi %add3A_87, %sub3A_101 : i32
      %ge3A_103 = arith.constant 0 : i32
      %ge3A_104 = arith.cmpi sge, %sub3A_102, %ge3A_103 : i32
      %lt3A_105 = arith.constant 100 : i32
      %lt3A_106 = arith.cmpi slt, %sub3A_102, %lt3A_105 : i32
      %and3A_107 = arith.andi %ge3A_104, %lt3A_106 : i1
      %convert_element_type3A_108 = arith.extui %and3A_107 : i1 to i32
      %cond3A_109 = arith.constant 0 : i32
      %cond3A_110 = arith.cmpi ne, %convert_element_type3A_108, %cond3A_109 : i32
      scf.if %cond3A_110 {
        %dma_wait3A = arith.constant 1 : i32
        %dma_wait3A_165 = arith.constant 0 : i32
        %dma_wait3A_166 = arith.constant 0 : i32
        %dma_wait3A_167 = tpu.memref_slice %arg6[%dma_wait3A, %dma_wait3A_165, %dma_wait3A_166] : memref<6x256x64xf32, #tpu.memory_space<vmem>> -> memref<1x256x64xf32, #tpu.memory_space<vmem>>
        %dma_wait3A_168 = tpu.memref_squeeze %dma_wait3A_167 : memref<1x256x64xf32, #tpu.memory_space<vmem>> -> memref<256x64xf32, #tpu.memory_space<vmem>>
        %dma_wait3A_169 = arith.constant 0 : i32
        %dma_wait3A_170 = arith.constant 0 : i32
        %dma_wait3A_171 = tpu.memref_slice %arg4[%dma_wait3A_169, %dma_wait3A_170] : memref<819200x64xf32, #tpu.memory_space<hbm>> -> memref<256x64xf32, #tpu.memory_space<hbm>>
        %dma_wait3A_172 = arith.constant 0 : i32
        %dma_wait3A_173 = arith.constant 0 : i32
        %dma_wait3A_174 = tpu.memref_slice %arg6[%dma_wait3A, %dma_wait3A_172, %dma_wait3A_173] : memref<6x256x64xf32, #tpu.memory_space<vmem>> -> memref<1x256x64xf32, #tpu.memory_space<vmem>>
        %dma_wait3A_175 = tpu.memref_squeeze %dma_wait3A_174 : memref<1x256x64xf32, #tpu.memory_space<vmem>> -> memref<256x64xf32, #tpu.memory_space<vmem>>
        %dma_wait3A_176 = arith.constant 0 : i32
        %dma_wait3A_177 = arith.constant 0 : i32
        %dma_wait3A_178 = tpu.memref_slice %arg4[%dma_wait3A_176, %dma_wait3A_177] : memref<819200x64xf32, #tpu.memory_space<hbm>> -> memref<256x64xf32, #tpu.memory_space<hbm>>
        tpu.wait_dma2 semaphore(%arg8 : memref<!tpu.dma_semaphore, #tpu.memory_space<semaphore_mem>>) src(%dma_wait3A_178 : memref<256x64xf32, #tpu.memory_space<hbm>>) dst(%dma_wait3A_175 : memref<256x64xf32, #tpu.memory_space<vmem>>)
        %mul3A_179 = arith.constant 256 : i32
        %mul3A_180 = arith.muli %sub3A_102, %mul3A_179 : i32
        %add3A_181 = arith.addi %mul3A_2, %mul3A_180 : i32
        %dma_start3A = arith.constant 1 : i32
        %dma_start3A_182 = arith.constant 0 : i32
        %dma_start3A_183 = arith.constant 0 : i32
        %dma_start3A_184 = tpu.memref_slice %arg6[%dma_start3A, %dma_start3A_182, %dma_start3A_183] : memref<6x256x64xf32, #tpu.memory_space<vmem>> -> memref<1x256x64xf32, #tpu.memory_space<vmem>>
        %dma_start3A_185 = tpu.memref_squeeze %dma_start3A_184 : memref<1x256x64xf32, #tpu.memory_space<vmem>> -> memref<256x64xf32, #tpu.memory_space<vmem>>
        %dma_start3A_186 = arith.constant 0 : i32
        %dma_start3A_187 = tpu.memref_slice %arg4[%add3A_181, %dma_start3A_186] : memref<819200x64xf32, #tpu.memory_space<hbm>> -> memref<256x64xf32, #tpu.memory_space<hbm>>
        %dma_start3A_188 = arith.constant 0 : i32
        %dma_start3A_189 = tpu.memref_slice %arg4[%add3A_181, %dma_start3A_188] : memref<819200x64xf32, #tpu.memory_space<hbm>> -> memref<256x64xf32, #tpu.memory_space<hbm>>
        %dma_start3A_190 = arith.constant 0 : i32
        %dma_start3A_191 = arith.constant 0 : i32
        %dma_start3A_192 = tpu.memref_slice %arg6[%dma_start3A, %dma_start3A_190, %dma_start3A_191] : memref<6x256x64xf32, #tpu.memory_space<vmem>> -> memref<1x256x64xf32, #tpu.memory_space<vmem>>
        %dma_start3A_193 = tpu.memref_squeeze %dma_start3A_192 : memref<1x256x64xf32, #tpu.memory_space<vmem>> -> memref<256x64xf32, #tpu.memory_space<vmem>>
        tpu.enqueue_dma source(%dma_start3A_193 : memref<256x64xf32, #tpu.memory_space<vmem>>) target(%dma_start3A_189 : memref<256x64xf32, #tpu.memory_space<hbm>>) target_semaphore(%arg14 : memref<!tpu.dma_semaphore, #tpu.memory_space<semaphore_mem>>)
      } else {
      }
      %mul3A_111 = arith.constant 6 : i32
      %mul3A_112 = arith.muli %scan3A_8, %mul3A_111 : i32
      %add3A_113 = arith.constant 4 : i32
      %add3A_114 = arith.addi %mul3A_112, %add3A_113 : i32
      %ge3A_115 = arith.constant 6 : i32
      %ge3A_116 = arith.cmpi sge, %add3A_114, %ge3A_115 : i32
      %lt3A_117 = arith.constant 106 : i32
      %lt3A_118 = arith.cmpi slt, %add3A_114, %lt3A_117 : i32
      %and3A_119 = arith.andi %ge3A_116, %lt3A_118 : i1
      %convert_element_type3A_120 = arith.extui %and3A_119 : i1 to i32
      %cond3A_121 = arith.constant 0 : i32
      %cond3A_122 = arith.cmpi ne, %convert_element_type3A_120, %cond3A_121 : i32
      scf.if %cond3A_122 {
        %dma_wait3A = arith.constant 4 : i32
        %dma_wait3A_165 = arith.constant 0 : i32
        %dma_wait3A_166 = arith.constant 0 : i32
        %dma_wait3A_167 = tpu.memref_slice %arg6[%dma_wait3A, %dma_wait3A_165, %dma_wait3A_166] : memref<6x256x64xf32, #tpu.memory_space<vmem>> -> memref<1x256x64xf32, #tpu.memory_space<vmem>>
        %dma_wait3A_168 = tpu.memref_squeeze %dma_wait3A_167 : memref<1x256x64xf32, #tpu.memory_space<vmem>> -> memref<256x64xf32, #tpu.memory_space<vmem>>
        %dma_wait3A_169 = arith.constant 0 : i32
        %dma_wait3A_170 = arith.constant 0 : i32
        %dma_wait3A_171 = tpu.memref_slice %arg4[%dma_wait3A_169, %dma_wait3A_170] : memref<819200x64xf32, #tpu.memory_space<hbm>> -> memref<256x64xf32, #tpu.memory_space<hbm>>
        %dma_wait3A_172 = arith.constant 0 : i32
        %dma_wait3A_173 = arith.constant 0 : i32
        %dma_wait3A_174 = tpu.memref_slice %arg4[%dma_wait3A_172, %dma_wait3A_173] : memref<819200x64xf32, #tpu.memory_space<hbm>> -> memref<256x64xf32, #tpu.memory_space<hbm>>
        %dma_wait3A_175 = arith.constant 0 : i32
        %dma_wait3A_176 = arith.constant 0 : i32
        %dma_wait3A_177 = tpu.memref_slice %arg6[%dma_wait3A, %dma_wait3A_175, %dma_wait3A_176] : memref<6x256x64xf32, #tpu.memory_space<vmem>> -> memref<1x256x64xf32, #tpu.memory_space<vmem>>
        %dma_wait3A_178 = tpu.memref_squeeze %dma_wait3A_177 : memref<1x256x64xf32, #tpu.memory_space<vmem>> -> memref<256x64xf32, #tpu.memory_space<vmem>>
        tpu.wait_dma2 semaphore(%arg17 : memref<!tpu.dma_semaphore, #tpu.memory_space<semaphore_mem>>) src(%dma_wait3A_178 : memref<256x64xf32, #tpu.memory_space<vmem>>) dst(%dma_wait3A_174 : memref<256x64xf32, #tpu.memory_space<hbm>>)
      } else {
      }
      %lt3A_123 = arith.constant 100 : i32
      %lt3A_124 = arith.cmpi slt, %add3A_114, %lt3A_123 : i32
      %convert_element_type3A_125 = arith.extui %lt3A_124 : i1 to i32
      %cond3A_126 = arith.constant 0 : i32
      %cond3A_127 = arith.cmpi ne, %convert_element_type3A_125, %cond3A_126 : i32
      scf.if %cond3A_127 {
        %dma_start3A = arith.constant 0 : i32
        %dma_start3A_165 = arith.constant 4 : i32
        %dma_start3A_166 = arith.constant 0 : i32
        %dma_start3A_167 = arith.constant 0 : i32
        %dma_start3A_168 = tpu.memref_slice %arg6[%dma_start3A_165, %dma_start3A_166, %dma_start3A_167] : memref<6x256x64xf32, #tpu.memory_space<vmem>> -> memref<1x256x64xf32, #tpu.memory_space<vmem>>
        %dma_start3A_169 = tpu.memref_squeeze %dma_start3A_168 : memref<1x256x64xf32, #tpu.memory_space<vmem>> -> memref<256x64xf32, #tpu.memory_space<vmem>>
        %dma_start3A_170 = arith.constant 0 : i32
        %dma_start3A_171 = tpu.memref_slice %arg5[%add3A_114, %dma_start3A, %dma_start3A_170] : memref<100x1x256xi32, #tpu.memory_space<vmem>> -> memref<1x1x256xi32, #tpu.memory_space<vmem>>
        %dma_start3A_172 = tpu.memref_squeeze %dma_start3A_171 : memref<1x1x256xi32, #tpu.memory_space<vmem>> -> memref<256xi32, #tpu.memory_space<vmem>>
        %dma_start3A_173 = arith.constant 0 : i32
        %dma_start3A_174 = arith.constant 0 : i32
        %dma_start3A_175 = tpu.memref_slice %arg3[%dma_start3A_173, %dma_start3A_174] : memref<1000000x64xf32, #tpu.memory_space<hbm>> -> memref<1000000x64xf32, #tpu.memory_space<hbm>>
        tpu.enqueue_indirect_dma source(%dma_start3A_175 : memref<1000000x64xf32, #tpu.memory_space<hbm>>) target(%dma_start3A_169 : memref<256x64xf32, #tpu.memory_space<vmem>>) offsets(%dma_start3A_172 : memref<256xi32, #tpu.memory_space<vmem>>) semaphore(%arg11 : memref<!tpu.dma_semaphore, #tpu.memory_space<semaphore_mem>>)
      } else {
      }
      %sub3A_128 = arith.constant 2 : i32
      %sub3A_129 = arith.subi %add3A_114, %sub3A_128 : i32
      %ge3A_130 = arith.constant 0 : i32
      %ge3A_131 = arith.cmpi sge, %sub3A_129, %ge3A_130 : i32
      %lt3A_132 = arith.constant 100 : i32
      %lt3A_133 = arith.cmpi slt, %sub3A_129, %lt3A_132 : i32
      %and3A_134 = arith.andi %ge3A_131, %lt3A_133 : i1
      %convert_element_type3A_135 = arith.extui %and3A_134 : i1 to i32
      %cond3A_136 = arith.constant 0 : i32
      %cond3A_137 = arith.cmpi ne, %convert_element_type3A_135, %cond3A_136 : i32
      scf.if %cond3A_137 {
        %dma_wait3A = arith.constant 2 : i32
        %dma_wait3A_165 = arith.constant 0 : i32
        %dma_wait3A_166 = arith.constant 0 : i32
        %dma_wait3A_167 = tpu.memref_slice %arg6[%dma_wait3A, %dma_wait3A_165, %dma_wait3A_166] : memref<6x256x64xf32, #tpu.memory_space<vmem>> -> memref<1x256x64xf32, #tpu.memory_space<vmem>>
        %dma_wait3A_168 = tpu.memref_squeeze %dma_wait3A_167 : memref<1x256x64xf32, #tpu.memory_space<vmem>> -> memref<256x64xf32, #tpu.memory_space<vmem>>
        %dma_wait3A_169 = arith.constant 0 : i32
        %dma_wait3A_170 = arith.constant 0 : i32
        %dma_wait3A_171 = tpu.memref_slice %arg4[%dma_wait3A_169, %dma_wait3A_170] : memref<819200x64xf32, #tpu.memory_space<hbm>> -> memref<256x64xf32, #tpu.memory_space<hbm>>
        %dma_wait3A_172 = arith.constant 0 : i32
        %dma_wait3A_173 = arith.constant 0 : i32
        %dma_wait3A_174 = tpu.memref_slice %arg6[%dma_wait3A, %dma_wait3A_172, %dma_wait3A_173] : memref<6x256x64xf32, #tpu.memory_space<vmem>> -> memref<1x256x64xf32, #tpu.memory_space<vmem>>
        %dma_wait3A_175 = tpu.memref_squeeze %dma_wait3A_174 : memref<1x256x64xf32, #tpu.memory_space<vmem>> -> memref<256x64xf32, #tpu.memory_space<vmem>>
        %dma_wait3A_176 = arith.constant 0 : i32
        %dma_wait3A_177 = arith.constant 0 : i32
        %dma_wait3A_178 = tpu.memref_slice %arg4[%dma_wait3A_176, %dma_wait3A_177] : memref<819200x64xf32, #tpu.memory_space<hbm>> -> memref<256x64xf32, #tpu.memory_space<hbm>>
        tpu.wait_dma2 semaphore(%arg9 : memref<!tpu.dma_semaphore, #tpu.memory_space<semaphore_mem>>) src(%dma_wait3A_178 : memref<256x64xf32, #tpu.memory_space<hbm>>) dst(%dma_wait3A_175 : memref<256x64xf32, #tpu.memory_space<vmem>>)
        %mul3A_179 = arith.constant 256 : i32
        %mul3A_180 = arith.muli %sub3A_129, %mul3A_179 : i32
        %add3A_181 = arith.addi %mul3A_2, %mul3A_180 : i32
        %dma_start3A = arith.constant 2 : i32
        %dma_start3A_182 = arith.constant 0 : i32
        %dma_start3A_183 = arith.constant 0 : i32
        %dma_start3A_184 = tpu.memref_slice %arg6[%dma_start3A, %dma_start3A_182, %dma_start3A_183] : memref<6x256x64xf32, #tpu.memory_space<vmem>> -> memref<1x256x64xf32, #tpu.memory_space<vmem>>
        %dma_start3A_185 = tpu.memref_squeeze %dma_start3A_184 : memref<1x256x64xf32, #tpu.memory_space<vmem>> -> memref<256x64xf32, #tpu.memory_space<vmem>>
        %dma_start3A_186 = arith.constant 0 : i32
        %dma_start3A_187 = tpu.memref_slice %arg4[%add3A_181, %dma_start3A_186] : memref<819200x64xf32, #tpu.memory_space<hbm>> -> memref<256x64xf32, #tpu.memory_space<hbm>>
        %dma_start3A_188 = arith.constant 0 : i32
        %dma_start3A_189 = tpu.memref_slice %arg4[%add3A_181, %dma_start3A_188] : memref<819200x64xf32, #tpu.memory_space<hbm>> -> memref<256x64xf32, #tpu.memory_space<hbm>>
        %dma_start3A_190 = arith.constant 0 : i32
        %dma_start3A_191 = arith.constant 0 : i32
        %dma_start3A_192 = tpu.memref_slice %arg6[%dma_start3A, %dma_start3A_190, %dma_start3A_191] : memref<6x256x64xf32, #tpu.memory_space<vmem>> -> memref<1x256x64xf32, #tpu.memory_space<vmem>>
        %dma_start3A_193 = tpu.memref_squeeze %dma_start3A_192 : memref<1x256x64xf32, #tpu.memory_space<vmem>> -> memref<256x64xf32, #tpu.memory_space<vmem>>
        tpu.enqueue_dma source(%dma_start3A_193 : memref<256x64xf32, #tpu.memory_space<vmem>>) target(%dma_start3A_189 : memref<256x64xf32, #tpu.memory_space<hbm>>) target_semaphore(%arg15 : memref<!tpu.dma_semaphore, #tpu.memory_space<semaphore_mem>>)
      } else {
      }
      %mul3A_138 = arith.constant 6 : i32
      %mul3A_139 = arith.muli %scan3A_8, %mul3A_138 : i32
      %add3A_140 = arith.constant 5 : i32
      %add3A_141 = arith.addi %mul3A_139, %add3A_140 : i32
      %ge3A_142 = arith.constant 6 : i32
      %ge3A_143 = arith.cmpi sge, %add3A_141, %ge3A_142 : i32
      %lt3A_144 = arith.constant 106 : i32
      %lt3A_145 = arith.cmpi slt, %add3A_141, %lt3A_144 : i32
      %and3A_146 = arith.andi %ge3A_143, %lt3A_145 : i1
      %convert_element_type3A_147 = arith.extui %and3A_146 : i1 to i32
      %cond3A_148 = arith.constant 0 : i32
      %cond3A_149 = arith.cmpi ne, %convert_element_type3A_147, %cond3A_148 : i32
      scf.if %cond3A_149 {
        %dma_wait3A = arith.constant 5 : i32
        %dma_wait3A_165 = arith.constant 0 : i32
        %dma_wait3A_166 = arith.constant 0 : i32
        %dma_wait3A_167 = tpu.memref_slice %arg6[%dma_wait3A, %dma_wait3A_165, %dma_wait3A_166] : memref<6x256x64xf32, #tpu.memory_space<vmem>> -> memref<1x256x64xf32, #tpu.memory_space<vmem>>
        %dma_wait3A_168 = tpu.memref_squeeze %dma_wait3A_167 : memref<1x256x64xf32, #tpu.memory_space<vmem>> -> memref<256x64xf32, #tpu.memory_space<vmem>>
        %dma_wait3A_169 = arith.constant 0 : i32
        %dma_wait3A_170 = arith.constant 0 : i32
        %dma_wait3A_171 = tpu.memref_slice %arg4[%dma_wait3A_169, %dma_wait3A_170] : memref<819200x64xf32, #tpu.memory_space<hbm>> -> memref<256x64xf32, #tpu.memory_space<hbm>>
        %dma_wait3A_172 = arith.constant 0 : i32
        %dma_wait3A_173 = arith.constant 0 : i32
        %dma_wait3A_174 = tpu.memref_slice %arg4[%dma_wait3A_172, %dma_wait3A_173] : memref<819200x64xf32, #tpu.memory_space<hbm>> -> memref<256x64xf32, #tpu.memory_space<hbm>>
        %dma_wait3A_175 = arith.constant 0 : i32
        %dma_wait3A_176 = arith.constant 0 : i32
        %dma_wait3A_177 = tpu.memref_slice %arg6[%dma_wait3A, %dma_wait3A_175, %dma_wait3A_176] : memref<6x256x64xf32, #tpu.memory_space<vmem>> -> memref<1x256x64xf32, #tpu.memory_space<vmem>>
        %dma_wait3A_178 = tpu.memref_squeeze %dma_wait3A_177 : memref<1x256x64xf32, #tpu.memory_space<vmem>> -> memref<256x64xf32, #tpu.memory_space<vmem>>
        tpu.wait_dma2 semaphore(%arg18 : memref<!tpu.dma_semaphore, #tpu.memory_space<semaphore_mem>>) src(%dma_wait3A_178 : memref<256x64xf32, #tpu.memory_space<vmem>>) dst(%dma_wait3A_174 : memref<256x64xf32, #tpu.memory_space<hbm>>)
      } else {
      }
      %lt3A_150 = arith.constant 100 : i32
      %lt3A_151 = arith.cmpi slt, %add3A_141, %lt3A_150 : i32
      %convert_element_type3A_152 = arith.extui %lt3A_151 : i1 to i32
      %cond3A_153 = arith.constant 0 : i32
      %cond3A_154 = arith.cmpi ne, %convert_element_type3A_152, %cond3A_153 : i32
      scf.if %cond3A_154 {
        %dma_start3A = arith.constant 0 : i32
        %dma_start3A_165 = arith.constant 5 : i32
        %dma_start3A_166 = arith.constant 0 : i32
        %dma_start3A_167 = arith.constant 0 : i32
        %dma_start3A_168 = tpu.memref_slice %arg6[%dma_start3A_165, %dma_start3A_166, %dma_start3A_167] : memref<6x256x64xf32, #tpu.memory_space<vmem>> -> memref<1x256x64xf32, #tpu.memory_space<vmem>>
        %dma_start3A_169 = tpu.memref_squeeze %dma_start3A_168 : memref<1x256x64xf32, #tpu.memory_space<vmem>> -> memref<256x64xf32, #tpu.memory_space<vmem>>
        %dma_start3A_170 = arith.constant 0 : i32
        %dma_start3A_171 = tpu.memref_slice %arg5[%add3A_141, %dma_start3A, %dma_start3A_170] : memref<100x1x256xi32, #tpu.memory_space<vmem>> -> memref<1x1x256xi32, #tpu.memory_space<vmem>>
        %dma_start3A_172 = tpu.memref_squeeze %dma_start3A_171 : memref<1x1x256xi32, #tpu.memory_space<vmem>> -> memref<256xi32, #tpu.memory_space<vmem>>
        %dma_start3A_173 = arith.constant 0 : i32
        %dma_start3A_174 = arith.constant 0 : i32
        %dma_start3A_175 = tpu.memref_slice %arg3[%dma_start3A_173, %dma_start3A_174] : memref<1000000x64xf32, #tpu.memory_space<hbm>> -> memref<1000000x64xf32, #tpu.memory_space<hbm>>
        tpu.enqueue_indirect_dma source(%dma_start3A_175 : memref<1000000x64xf32, #tpu.memory_space<hbm>>) target(%dma_start3A_169 : memref<256x64xf32, #tpu.memory_space<vmem>>) offsets(%dma_start3A_172 : memref<256xi32, #tpu.memory_space<vmem>>) semaphore(%arg12 : memref<!tpu.dma_semaphore, #tpu.memory_space<semaphore_mem>>)
      } else {
      }
      %sub3A_155 = arith.constant 2 : i32
      %sub3A_156 = arith.subi %add3A_141, %sub3A_155 : i32
      %ge3A_157 = arith.constant 0 : i32
      %ge3A_158 = arith.cmpi sge, %sub3A_156, %ge3A_157 : i32
      %lt3A_159 = arith.constant 100 : i32
      %lt3A_160 = arith.cmpi slt, %sub3A_156, %lt3A_159 : i32
      %and3A_161 = arith.andi %ge3A_158, %lt3A_160 : i1
      %convert_element_type3A_162 = arith.extui %and3A_161 : i1 to i32
      %cond3A_163 = arith.constant 0 : i32
      %cond3A_164 = arith.cmpi ne, %convert_element_type3A_162, %cond3A_163 : i32
      scf.if %cond3A_164 {
        %dma_wait3A = arith.constant 3 : i32
        %dma_wait3A_165 = arith.constant 0 : i32
        %dma_wait3A_166 = arith.constant 0 : i32
        %dma_wait3A_167 = tpu.memref_slice %arg6[%dma_wait3A, %dma_wait3A_165, %dma_wait3A_166] : memref<6x256x64xf32, #tpu.memory_space<vmem>> -> memref<1x256x64xf32, #tpu.memory_space<vmem>>
        %dma_wait3A_168 = tpu.memref_squeeze %dma_wait3A_167 : memref<1x256x64xf32, #tpu.memory_space<vmem>> -> memref<256x64xf32, #tpu.memory_space<vmem>>
        %dma_wait3A_169 = arith.constant 0 : i32
        %dma_wait3A_170 = arith.constant 0 : i32
        %dma_wait3A_171 = tpu.memref_slice %arg4[%dma_wait3A_169, %dma_wait3A_170] : memref<819200x64xf32, #tpu.memory_space<hbm>> -> memref<256x64xf32, #tpu.memory_space<hbm>>
        %dma_wait3A_172 = arith.constant 0 : i32
        %dma_wait3A_173 = arith.constant 0 : i32
        %dma_wait3A_174 = tpu.memref_slice %arg6[%dma_wait3A, %dma_wait3A_172, %dma_wait3A_173] : memref<6x256x64xf32, #tpu.memory_space<vmem>> -> memref<1x256x64xf32, #tpu.memory_space<vmem>>
        %dma_wait3A_175 = tpu.memref_squeeze %dma_wait3A_174 : memref<1x256x64xf32, #tpu.memory_space<vmem>> -> memref<256x64xf32, #tpu.memory_space<vmem>>
        %dma_wait3A_176 = arith.constant 0 : i32
        %dma_wait3A_177 = arith.constant 0 : i32
        %dma_wait3A_178 = tpu.memref_slice %arg4[%dma_wait3A_176, %dma_wait3A_177] : memref<819200x64xf32, #tpu.memory_space<hbm>> -> memref<256x64xf32, #tpu.memory_space<hbm>>
        tpu.wait_dma2 semaphore(%arg10 : memref<!tpu.dma_semaphore, #tpu.memory_space<semaphore_mem>>) src(%dma_wait3A_178 : memref<256x64xf32, #tpu.memory_space<hbm>>) dst(%dma_wait3A_175 : memref<256x64xf32, #tpu.memory_space<vmem>>)
        %mul3A_179 = arith.constant 256 : i32
        %mul3A_180 = arith.muli %sub3A_156, %mul3A_179 : i32
        %add3A_181 = arith.addi %mul3A_2, %mul3A_180 : i32
        %dma_start3A = arith.constant 3 : i32
        %dma_start3A_182 = arith.constant 0 : i32
        %dma_start3A_183 = arith.constant 0 : i32
        %dma_start3A_184 = tpu.memref_slice %arg6[%dma_start3A, %dma_start3A_182, %dma_start3A_183] : memref<6x256x64xf32, #tpu.memory_space<vmem>> -> memref<1x256x64xf32, #tpu.memory_space<vmem>>
        %dma_start3A_185 = tpu.memref_squeeze %dma_start3A_184 : memref<1x256x64xf32, #tpu.memory_space<vmem>> -> memref<256x64xf32, #tpu.memory_space<vmem>>
        %dma_start3A_186 = arith.constant 0 : i32
        %dma_start3A_187 = tpu.memref_slice %arg4[%add3A_181, %dma_start3A_186] : memref<819200x64xf32, #tpu.memory_space<hbm>> -> memref<256x64xf32, #tpu.memory_space<hbm>>
        %dma_start3A_188 = arith.constant 0 : i32
        %dma_start3A_189 = tpu.memref_slice %arg4[%add3A_181, %dma_start3A_188] : memref<819200x64xf32, #tpu.memory_space<hbm>> -> memref<256x64xf32, #tpu.memory_space<hbm>>
        %dma_start3A_190 = arith.constant 0 : i32
        %dma_start3A_191 = arith.constant 0 : i32
        %dma_start3A_192 = tpu.memref_slice %arg6[%dma_start3A, %dma_start3A_190, %dma_start3A_191] : memref<6x256x64xf32, #tpu.memory_space<vmem>> -> memref<1x256x64xf32, #tpu.memory_space<vmem>>
        %dma_start3A_193 = tpu.memref_squeeze %dma_start3A_192 : memref<1x256x64xf32, #tpu.memory_space<vmem>> -> memref<256x64xf32, #tpu.memory_space<vmem>>
        tpu.enqueue_dma source(%dma_start3A_193 : memref<256x64xf32, #tpu.memory_space<vmem>>) target(%dma_start3A_189 : memref<256x64xf32, #tpu.memory_space<hbm>>) target_semaphore(%arg16 : memref<!tpu.dma_semaphore, #tpu.memory_space<semaphore_mem>>)
      } else {
      }
    }
    %scan3A_7 = arith.constant 18 : i32
    return
  }
}

</mosaic_0001>

<sc_bundles>
// kernel: kernel.3.cloned.1.call-start
scs
__scs_entry_jumppad:
0x0: {  	(pc) =	sbr.rel $0x88, $3  }
0x1: {  	(tag) =	ssettag $0x0;
	lr =	simm.s32 $0x1  }
0x2: {  	[smem:$0x3F9F] =	sst lr;
	_ =	strace $0xD0000000  }
0x3: {  	_ = 	snop  }
0x4: {  	_ = 	snop  }
0x5: {  	_ = 	snop  }
0x6: {  	_ = 	snop  }
0x7: {  	_ = 	snop  }
__scs_overlays_trampoline_lowered:
0x8: {  	[smem:$0x3FAE] =	sst s0  }
0x9: {  	[smem:$0x3FAF] =	sst s1  }
0xa: {  	[smem:$0x3FB0] =	sst s2  }
0xb: {  	[smem:$0x3FB1] =	sst s3  }
0xc: {  	[smem:$0x3FB2] =	sst s4  }
0xd: {  	[smem:$0x3FB3] =	sst s5  }
0xe: {  	[smem:$0x3FB4] =	sst s6  }
0xf: {  	[smem:$0x3FB5] =	sst s7  }
0x10: {  	[smem:$0x3FB6] =	sst s8  }
0x11: {  	[smem:$0x3FB7] =	sst s9;
	s0 =	simm.s32 @!p0 $0x0  }
0x12: {  	s1 =	sld [smem:$0x3F9D];
	s0 =	simm.s32 @p0 $0x1  }
0x13: {  	[smem:$0x3FB8] =	sst s0;
	s0 =	simm.s32 @!p1 $0x0  }
0x14: {  	s2 =	sld [smem:$0x3F9C];
	s0 =	simm.s32 @p1 $0x1  }
0x15: {  	[smem:$0x3FB9] =	sst s0;
	s0 =	simm.s32 @!p2 $0x0  }
0x16: {  	s3 =	sld [smem:$0x3FDB];
	s0 =	simm.s32 @p2 $0x1  }
0x17: {  	s4 =	simm.s32 $0x1BF5;
	[smem:$0x3FBB] =	sst s0  }
0x18: {  	s0 =	sld [smem:$0x3F9E];
	_ =	swait.ge [sflag:s4], $0x0  }
0x19: {  	s7 =	sld [smem:$0x3F9F]  }
0x1a: {  	s8 =	sadd.s32 $0xFFFFE003, lr  }
0x1b: {  	s9 =	sadd.s32 $0xFFFFFEF7, lr;
	s5 =	simm.s32 $0xFFFFFFFF;
	p2 =	slt.u32 s8, $0xFFFFF086  }
0x1c: {  	p1 =	slt.u32 s9, $0xF7A;
	s5 =	simm.s32 @!p2 $0x0  }
0x1d: {  	s5 =	simm.s32 @p1 $0x1;
	p0 =	seq.s32 s7, s2  }
0x1e: {  	s7 =	smul.u32 @!p0 $0xF7A, s2;
	p2 =	seq.s32 @!p0 s5, $0x0  }
0x1f: {  	s9 =	smul.u32 $0xF7A, s1;
	s8 =	simm.s32 @!p0 $0x1BF5;
	p2 =	por !p2, p0  }
0x20: {  	[sflag:s8] =	ssyncset.s32 @!p0 $0xFFFFF086;
	s6 =	sadd.s32 @!p0 s3, s7;
	s7 =	simm.s32 @!p0 $0x108  }
0x21: {  	s3 =	sadd.s32 s3, s9;
	s6 =	sadd.s32 @!p0 $0x88, s6;
	s7 =	simm.s32 @p2 $0x1082  }
0x22: {  	[simem:s7], [sflag:s8] =	dma.local @!p0 [hbm:s6], $0xF7A  }
0x23: {  	s9 =	sor.u32 $0xD0000000, s2;
	s6 =	simm.s32 $0x108;
	_ =	swait.ge @!p0 [sflag:s8], $0x0  }
0x24: {  	s3 =	sadd.s32 $0x88, s3;
	s6 =	simm.s32 @!p1 $0x1082;
	[sflag:s4] =	ssyncset.s32 $0xFFFFF086  }
0x25: {  	[simem:s6], [sflag:s4] =	dma.local [hbm:s3], $0xF7A  }
0x26: {  	[smem:$0x3F9F] =	sst s1;
	(tag) =	ssettag s2;
	_ =	strace s9  }
0x27: {  	s1 =	sld [smem:$0x3FAF]  }
0x28: {  	s2 =	sld [smem:$0x3FB0]  }
0x29: {  	s4 =	sld [smem:$0x3FB2]  }
0x2a: {  	p0 =	seq.s32 s5, $0x0;
	s5 =	sld [smem:$0x3FB3]  }
0x2b: {  	s6 =	sld [smem:$0x3FB4]  }
0x2c: {  	s7 =	sld [smem:$0x3FB5]  }
0x2d: {  	s3 =	simm.s32 $0x108;
	s8 =	sld [smem:$0x3FB6]  }
0x2e: {  	s3 =	simm.s32 @!p0 $0x1082;
	s9 =	sld [smem:$0x3FB7]  }
0x2f: {  	lr =	sadd.s32 s0, s3;
	s0 =	sld [smem:$0x3FAE]  }
0x30: {  	s3 =	sld [smem:$0x3FB1]  }
0x31: {  	[smem:$0x3FBA] =	sst s10  }
0x32: {  	s10 =	sld [smem:$0x3FB8];
	_ =	sdelay $0x3  }
0x33: {  	p0 =	seq.s32 s10, $0x1;
	s10 =	sld [smem:$0x3FBA];
	_ =	sdelay $0x3  }
0x34: {  	[smem:$0x3FBA] =	sst s10  }
0x35: {  	s10 =	sld [smem:$0x3FB9];
	_ =	sdelay $0x3  }
0x36: {  	p1 =	seq.s32 s10, $0x1;
	s10 =	sld [smem:$0x3FBA];
	_ =	sdelay $0x3  }
0x37: {  	[smem:$0x3FBA] =	sst s10  }
0x38: {  	s10 =	sld [smem:$0x3FBB]  }
0x39: {  	_ = 	snop;
	(pc) =	sbr.ind lr, $3  }
0x3a: {  	_ = 	snop  }
0x3b: {  	_ = 	snop  }
0x3c: {  	p2 =	seq.s32 s10, $0x1;
	s10 =	sld [smem:$0x3FBA]  }
0x3d: {  	_ =	shalt  }
0x3e: {  	_ =	shalt  }
0x3f: {  	_ =	shalt  }
0x40: {  	_ =	shalt  }
0x41: {  	_ =	shalt  }
0x42: {  	_ =	shalt  }
0x43: {  	_ =	shalt  }
0x44: {  	_ =	shalt  }
0x45: {  	_ =	shalt  }
0x46: {  	_ =	shalt  }
0x47: {  	_ =	shalt  }
0x48: {  	_ =	shalt  }
0x49: {  	_ =	shalt  }
0x4a: {  	_ =	shalt  }
0x4b: {  	_ =	shalt  }
0x4c: {  	_ =	shalt  }
0x4d: {  	_ =	shalt  }
0x4e: {  	_ =	shalt  }
0x4f: {  	_ =	shalt  }
0x50: {  	_ =	shalt  }
0x51: {  	_ =	shalt  }
0x52: {  	_ =	shalt  }
0x53: {  	_ =	shalt  }
0x54: {  	_ =	shalt  }
0x55: {  	_ =	shalt  }
0x56: {  	_ =	shalt  }
0x57: {  	_ =	shalt  }
0x58: {  	_ =	shalt  }
0x59: {  	_ =	shalt  }
0x5a: {  	_ =	shalt  }
0x5b: {  	_ =	shalt  }
0x5c: {  	_ =	shalt  }
0x5d: {  	_ =	shalt  }
0x5e: {  	_ =	shalt  }
0x5f: {  	_ =	shalt  }
0x60: {  	_ =	shalt  }
0x61: {  	_ =	shalt  }
0x62: {  	_ =	shalt  }
0x63: {  	_ =	shalt  }
0x64: {  	_ =	shalt  }
0x65: {  	_ =	shalt  }
0x66: {  	_ =	shalt  }
0x67: {  	_ =	shalt  }
0x68: {  	_ =	shalt  }
0x69: {  	_ =	shalt  }
0x6a: {  	_ =	shalt  }
0x6b: {  	_ =	shalt  }
0x6c: {  	_ =	shalt  }
0x6d: {  	_ =	shalt  }
0x6e: {  	_ =	shalt  }
0x6f: {  	_ =	shalt  }
0x70: {  	_ =	shalt  }
0x71: {  	_ =	shalt  }
0x72: {  	_ =	shalt  }
0x73: {  	_ =	shalt  }
0x74: {  	_ =	shalt  }
0x75: {  	_ =	shalt  }
0x76: {  	_ =	shalt  }
0x77: {  	_ =	shalt  }
0x78: {  	_ =	shalt  }
0x79: {  	_ =	shalt  }
0x7a: {  	_ =	shalt  }
0x7b: {  	_ =	shalt  }
0x7c: {  	_ =	shalt  }
0x7d: {  	_ =	shalt  }
0x7e: {  	_ =	shalt  }
0x7f: {  	_ =	shalt  }
0x80: {  	_ =	shalt  }
0x81: {  	_ =	shalt  }
0x82: {  	_ =	shalt  }
0x83: {  	_ =	shalt  }
0x84: {  	_ =	shalt  }
0x85: {  	_ =	shalt  }
0x86: {  	_ =	shalt  }
0x87: {  	_ =	shalt  }
.Lfunc_end0:
.L_simem_size_0:
called_computation.1_lowered:
.L_overlay_start_0:
0x88: {  	s2 =	sld [smem:$0x3FD9]  }
0x89: {  	s3 =	sld [smem:$0x3FFE];
	_ =	sdelay $0x1  }
0x8a: {  	s1 =	srdreg.scid  }
0x8b: {  	s0 =	sand.u32 $0x1, s1  }
0x8c: {  	s17 =	sshll.u32 s0, $0xA;
	s2 =	sadd.s32 s3, s2  }
0x8d: {  	s2 =	sadd.s32 s2, s17  }
0x8e: {  	[smem:$0x3FC6] =	sst s2  }
0x8f: {  	_ = 	snop  }
0x90: {  	s2 =	sld [smem:$0x3FD0];
	(tm) =	ssettm $0x1  }
0x91: {  	s18 =	sld [smem:$0x3FFB];
	_ =	sdelay $0x3  }
0x92: {  	_ =	strace s18  }
0x93: {  	s3 =	sld [smem:$0x3FFC];
	_ =	sdelay $0x3  }
0x94: {  	_ =	strace s3  }
0x95: {  	s3 =	sld [smem:$0x3FFD];
	_ =	sdelay $0x3  }
0x96: {  	_ =	strace s3  }
0x97: {  	_ =	strace $0x8FFFFFFF  }
0x98: {  	s19 =	sld [smem:$0x3FDB];
	_ =	sdelay $0x1  }
0x99: {  	s4 =	simm.s32 $_scs_section_size  }
0x9a: {  	s5 =	simm.s32 $_size__tile_overlayer_lowered;
	s6 =	simm.s32 $_tile_overlayer_lowered  }
0x9b: {  	s22 =	simm.s32 $0x1BFF;
	s21 =	sshll.u32 s6, $0x1;
	s3 =	sadd.s32 s4, s19  }
0x9c: {  	s7 =	simm.s32 $0x0;
	s20 =	sshll.u32 s5, $0x1;
	s5 =	sadd.s32 s21, s3  }
0x9d: {  	[timem:s7], [sflag:s22] =	dma.local [hbm:s5], s20  }
0x9e: {  	_ =	swait.ge [sflag:s22], s20  }
0x9f: {  	s4 =	ssub.s32 $0x0, s20;
	[sflag:s22] =	ssyncset.done $0x0  }
0xa0: {  	[sflag:s22] =	ssyncadd.s32 s4;
	_ =	sdelay $0x1  }
0xa1: {  	s23 =	simm.s32 $0x1B8B  }
0xa2: {  	_ =	swait.ge [sflag:s23], $0x1  }
0xa3: {  	[sflag:s23] =	ssyncset.done $0x0  }
0xa4: {  	s25 =	simm.s32 $0x1B8E;
	s24 =	sld [smem:$0x3FFE];
	[sflag:s23] =	ssyncadd.s32 $0xFFFFFFFF  }
0xa5: {  	s26 =	simm.s32 $execute0_lowered;
	[smem:$0x3FD2] =	sst s25  }
0xa6: {  	s5 =	sshll.u32 s26, $0x1;
	_ =	strace $0x80000046;
	[dreg:$0x1] =	wrdreg $0xFFFFFFFF  }
0xa7: {  	s28 =	simm.s32 $_size_execute0_lowered;
	s3 =	sadd.s32 s3, s5;
	[dreg:$0x0] =	wrdreg $0x0  }
0xa8: {  	s5 =	sshll.u32 s28, $0x1;
	[dreg:$0x2] =	wrdreg s3  }
0xa9: {  	[dreg:$0x3] =	wrdreg s5  }
0xaa: {  	[dreg:$0x4] =	wrdreg $0xC0  }
0xab: {  	_ =	task [dreg:s7], $0x5FFFF  }
0xac: {  	[dreg:$0x1] =	wrdreg $0xFFFFFFFF  }
0xad: {  	[dreg:$0x0] =	wrdreg $0x60  }
0xae: {  	[dreg:$0x2] =	wrdreg s24  }
0xaf: {  	[dreg:$0x3] =	wrdreg s2  }
0xb0: {  	[dreg:$0x4] =	wrdreg $0x9  }
0xb1: {  	_ =	task.clear_ibuf [dreg:s7], $0x5FFFF;
	_ =	strace $0x90000046  }
0xb2: {  	s29 =	simm.s32 $0x9;
	_ =	strace $0x80000048  }
0xb3: {  	_ =	swait.ge [sflag:s29], $0x1  }
0xb4: {  	[sflag:s29] =	ssyncadd.s32 $0xFFFFFFFF  }
0xb5: {  	_ =	strace $0x90000048  }
0xb6: {  	_ =	sfence  }
0xb7: {  	s30 =	sld [smem:$0x0];
	_ =	sdelay $0x2  }
0xb8: {  	s31 =	sshll.u32 s1, $0xD;
	s1 =	sshrl.u32 s1, $0x2  }
0xb9: {  	s3 =	sand.u32 $0x4000, s31;
	s1 =	sadd.s32 s1, s30  }
0xba: {  	s0 =	sor.u32 s3, s0;
	s1 =	sshll.u32 s1, $0x11  }
0xbb: {  	s0 =	sor.u32 s1, s0  }
0xbc: {  	s0 =	sadd.s32 $0x8F2B, s0  }
0xbd: {  	[sflag:s0] =	ssyncadd.remote.s32 $0x1  }
0xbe: {  	_ =	sfence.sel $0xFFFF  }
0xbf: {  	[dreg:$0x0] =	wrdreg $0xFFFFFFFF;
	(pc) =	sbr.abs _section_cstart, $3  }
0xc0: {  	[dreg:$0x1] =	wrdreg $0xFFFFFFFF  }
0xc1: {  	_ =	task.clear_ibuf [dreg:s7], $0x2FFFF;
	_ =	strace $0x9FFFFFFF  }
0xc2: {  	(tm) =	ssettm $0x7FFFFFFF  }
0xc3: {  	_ =	shalt  }
tec
execute0_lowered:
.L_overlay_start_1:
0x0: {  	(tag) =	ssettag $0x1  }
0x1: {  	s0 =	rddreg [dreg:$0x0];
	s1 =	srdreg.scid  }
0x2: {  	s11 =	stileid.u32;
	s2 =	rddreg [dreg:$0x1]  }
0x3: {  	s3 =	simm.s32 $0x0;
	s12 =	simm.s32 $0xD;
	s16 =	simm.s32 $0x100  }
0x4: {  	s17 =	simm.s32 $0x6400;
	s18 =	simm.s32 $0xE400;
	s19 =	simm.s32 $0x1  }
0x5: {  	s20 =	simm.s32 $0x12400;
	s21 =	simm.s32 $0x2;
	s28 =	simm.s32 $0x1A400  }
0x6: {  	s29 =	simm.s32 $0x4;
	s30 =	simm.s32 $0x0;
	s7 =	smul.u32 $0x320000, s11  }
0x7: {  	s1 =	sand.u32 $0x1, s1;
	s4 =	sshll.u32 s11, $0x1;
	s26 =	smul.u32 $0x64000, s11  }
0x8: {  	s5 =	sor.u32 s1, s4;
	s6 =	ssub.s32 $0x2, s1;
	s9 =	smul.u32 $0x190000, s1  }
0x9: {  	[smem:$0x7FF] =	sst s3;
	s4 =	smul.u32 $0x6400, s5;
	s8 =	sshrl.u32 s6, $0x1  }
0xa: {  	_ =	strace $0x80000047;
	s1 =	smul.u32 $0x32000, s1;
	s22 =	ssub.s32 s6, s8  }
0xb: {  	s6 =	smul.u32 $0x190000, s5;
	s24 =	sadd.s32 s9, s7;
	s4 =	sshrl.u32 s4, $0x3  }
0xc: {  	s25 =	sadd.s32 $0xFFFFC000, s24;
	s7 =	sor.u32 $0x4000, s24;
	s5 =	sor.u32 $0xC000, s24  }
0xd: {  	s24 =	simm.s32 $0x16400;
	s10 =	sadd.s32 s4, s0;
	s4 =	sadd.s32 $0xF42E00, s0  }
0xe: {  	s0 =	smax.u32 s22, $0x1;
	[dreg:$0x5] =	wrdreg s25;
	s7 =	sshrl.u32 s7, $0x3  }
.Ltmp0:
0xf: {  	s5 =	sshrl.u32 s5, $0x3;
	s22 =	simm.s32 $0xA400;
	(pc) =	sbr.rel .LBB2_1-.Ltmp0, $4  }
0x10: {  	s25 =	simm.s32 $0x3;
	s23 =	sadd.s32 $0xA00, s10;
	[dreg:$0x4] =	wrdreg s0  }
0x11: {  	s0 =	sadd.s32 s26, s2;
	s31 =	sadd.s32 s7, s2;
	[dreg:$0x3] =	wrdreg s23  }
0x12: {  	s26 =	simm.s32 $0xC;
	s0 =	sadd.s32 s1, s0;
	[dreg:$0x7] =	wrdreg s31  }
0x13: {  	s1 =	sadd.s32 s5, s2;
	s23 =	simm.s32 $0xB;
	[dreg:$0x6] =	wrdreg s0  }
.LBB2_14:
0x14: {  	s0 =	simm.s32 $0x8  }
0x15: {  	_ =	swait.ge [sflag:s0], $0x4000  }
0x16: {  	[sflag:s0] =	ssyncset.done $0x0  }
0x17: {  	s15 =	simm.s32 $0x9;
	[sflag:s0] =	ssyncadd.s32 $0xFFFFC000  }
0x18: {  	_ =	swait.ge [sflag:s15], $0x4000  }
0x19: {  	[sflag:s15] =	ssyncset.done $0x0  }
0x1a: {  	s31 =	simm.s32 $0xA;
	[sflag:s15] =	ssyncadd.s32 $0xFFFFC000  }
0x1b: {  	_ =	swait.ge [sflag:s31], $0x4000  }
0x1c: {  	[sflag:s31] =	ssyncset.done $0x0  }
0x1d: {  	[sflag:s31] =	ssyncadd.s32 $0xFFFFC000  }
.LBB2_12:
0x1e: {  	s30 =	sadd.s32 $0x1, s30;
	s0 =	rddreg [dreg:$0x4]  }
0x1f: {  	p0 =	sne.s32 s30, s0  }
.Ltmp1:
0x20: {  	_ = 	snop;
	(pc) =	sbr.rel @!p0 .LBB2_13-.Ltmp1, $1  }
0x21: {  	_ =	sdelay $0x3  }
.LBB2_1:
0x22: {  	s0 =	rddreg [dreg:$0x3]  }
0x23: {  	[tilespmem:s3], [sflag:$0xD] =	stream.linear.gather [hbm4b:s0+s3], $0x6400, $0x38;
	[tilespmem:$0x1E400] =	vst v63  }
.Ltmp2:
0x24: {  	_ = 	snop;
	(pc) =	sbr.rel .LBB2_2-.Ltmp2, $4  }
0x25: {  	_ =	swait.ge [sflag:s12], $0x6400  }
0x26: {  	s31 =	simm.s32 $0xFFFFFFFA;
	s11 =	smov.u32 s1;
	s10 =	rddreg [dreg:$0x7]  }
0x27: {  	s14 =	simm.s32 $0x0;
	[sflag:s12] =	ssyncset.done $0x0;
	s9 =	rddreg [dreg:$0x6]  }
0x28: {  	s5 =	simm.s32 $0x0;
	s8 =	rddreg [dreg:$0x5];
	[sflag:s12] =	ssyncadd.s32 $0xFFFF9C00  }
.LBB2_10:
0x29: {  	s0 =	sadd.s32 $0x500, s7  }
0x2a: {  	[tilespmem:s28], [sflag:$0x6] =	stream.indirect.gather [hbm4b:s4+s16], $0x40, s0, s16, $0xb8;
	[tilespmem:$0x1E400] =	vst v63  }
.LBB2_11:
0x2b: {  	s14 =	sadd.s32 $0x1800, s14  }
0x2c: {  	p0 =	sne.s32 s14, $0x1B000  }
.Ltmp3:
0x2d: {  	_ =	swait.ge [sflag:s29], $0x4000;
	(pc) =	sbr.rel @!p0 .LBB2_12-.Ltmp3, $4  }
0x2e: {  	s5 =	sadd.s32 $0x1, s5;
	[sflag:s29] =	ssyncset.done $0x0  }
0x2f: {  	s8 =	sadd.s32 $0x18000, s8;
	s9 =	sadd.s32 $0x3000, s9;
	[sflag:s29] =	ssyncadd.s32 $0xFFFFC000  }
0x30: {  	[hbm4b:s11+s3] =	stream.linear.scatter [tilespmem:s20], [sflag:$0xA], $0x4000, $0x38;
	[tilespmem:$0x1E400] =	vst v63  }
0x31: {  	s10 =	sadd.s32 $0x3000, s10;
	s31 =	sadd.s32 $0x6, s31;
	s11 =	sadd.s32 $0x3000, s11  }
.LBB2_2:
0x32: {  	p1 =	seq.s32 s14, $0x19800  }
.Ltmp4:
0x33: {  	p0 =	sgt.u32 s31, $0x63;
	(pc) =	sbr.rel @p1 .LBB2_14-.Ltmp4, $4  }
0x34: {  	s7 =	simm.s32 @!p0 $0x7  }
0x35: {  	_ =	swait.ge @!p0 [sflag:s7], $0x4000  }
0x36: {  	[sflag:s7] =	ssyncset.done @!p0 $0x0  }
0x37: {  	[sflag:s7] =	ssyncadd.s32 @!p0 $0xFFFFC000  }
0x38: {  	s7 =	sshra.s32 s14, $0x2;
	s15 =	sadd.s32 $0x4, s31  }
0x39: {  	[tilespmem:s17], [sflag:$0x1] =	stream.indirect.gather [hbm4b:s4+s16], $0x40, s7, s16, $0xb8;
	[tilespmem:$0x1E400] =	vst v63  }
0x3a: {  	p0 =	sgt.u32 s15, $0x63  }
0x3b: {  	s15 =	simm.s32 @!p0 $0x5  }
0x3c: {  	p1 =	sne.s32 s14, $0x0;
	s13 =	sadd.s32 @!p0 $0xFFFFC000, s8;
	_ =	swait.ge @!p0 [sflag:s15], $0x4000  }
0x3d: {  	s0 =	simm.s32 @!p0 $0x16400;
	s13 =	sshrl.u32 @!p0 s13, $0x3;
	[sflag:s15] =	ssyncset.done @!p0 $0x0  }
0x3e: {  	s13 =	sadd.s32 @!p0 s2, s13;
	[sflag:s15] =	ssyncadd.s32 @!p0 $0xFFFFC000;
	s15 =	simm.s32 @!p0 $0x0  }
0x3f: {  	[hbm4b:s13+s15] =	stream.linear.scatter @!p0 [tilespmem:s0], [sflag:$0xB], $0x4000, $0x38;
	[tilespmem:$0x1E400] =	vst v63  }
0x40: {  	s0 =	simm.s32 @p1 $0x8  }
0x41: {  	_ =	swait.ge @p1 [sflag:s0], $0x4000  }
0x42: {  	[sflag:s0] =	ssyncset.done @p1 $0x0  }
0x43: {  	[sflag:s0] =	ssyncadd.s32 @p1 $0xFFFFC000;
	s0 =	sshra.s32 @p1 s14, $0x2  }
0x44: {  	s13 =	simm.s32 @p1 $0x100;
	s15 =	simm.s32 @p1 $0xA400;
	s0 =	sadd.s32 @p1 $0x100, s0  }
0x45: {  	[tilespmem:s15], [sflag:$0x2] =	stream.indirect.gather @p1 [hbm4b:s4+s13], $0x40, s0, s13, $0xb8;
	[tilespmem:$0x1E400] =	vst v63  }
0x46: {  	s0 =	simm.s32 @p1 $0x6  }
0x47: {  	_ =	swait.ge @p1 [sflag:s0], $0x4000  }
0x48: {  	[sflag:s0] =	ssyncset.done @p1 $0x0  }
0x49: {  	[sflag:s0] =	ssyncadd.s32 @p1 $0xFFFFC000;
	s0 =	sshrl.u32 @p1 s8, $0x3  }
0x4a: {  	s13 =	simm.s32 @p1 $0x0;
	s15 =	simm.s32 @p1 $0x1A400;
	s0 =	sadd.s32 @p1 s2, s0  }
0x4b: {  	[hbm4b:s0+s13] =	stream.linear.scatter @p1 [tilespmem:s15], [sflag:$0xC], $0x4000, $0x38;
	[tilespmem:$0x1E400] =	vst v63  }
0x4c: {  	s0 =	simm.s32 @p1 $0x9  }
0x4d: {  	_ =	swait.ge @p1 [sflag:s0], $0x4000  }
0x4e: {  	s15 =	sadd.s32 @p1 $0x8, s31;
	s13 =	simm.s32 @!p1 $0xA400;
	[sflag:s0] =	ssyncset.done @p1 $0x0  }
0x4f: {  	s15 =	simm.s32 @!p1 $0x2;
	[sflag:s0] =	ssyncadd.s32 @p1 $0xFFFFC000;
	s0 =	simm.s32 @!p1 $0x100  }
0x50: {  	[tilespmem:s13], [sflag:$0x2] =	stream.indirect.gather @!p1 [hbm4b:s4+s0], $0x40, s0, s0, $0xb8;
	[tilespmem:$0x1E400] =	vst v63  }
0x51: {  	s13 =	sshll.u32 s15, $0x8  }
0x52: {  	s0 =	sand.u32 $0x3FFFFF00, s13  }
0x53: {  	[tilespmem:s18], [sflag:$0x3] =	stream.indirect.gather [hbm4b:s4+s16], $0x40, s0, s16, $0xb8;
	[tilespmem:$0x1E400] =	vst v63  }
0x54: {  	_ =	swait.ge [sflag:s19], $0x4000  }
0x55: {  	p1 =	seq.s32 s14, $0x0;
	[sflag:s19] =	ssyncset.done $0x0  }
0x56: {  	s0 =	simm.s32 @!p1 $0xA;
	[sflag:s19] =	ssyncadd.s32 $0xFFFFC000  }
0x57: {  	[hbm4b:s9+s3] =	stream.linear.scatter [tilespmem:s17], [sflag:$0x7], $0x4000, $0x38;
	[tilespmem:$0x1E400] =	vst v63  }
0x58: {  	_ =	swait.ge @!p1 [sflag:s0], $0x4000  }
0x59: {  	[sflag:s0] =	ssyncset.done @!p1 $0x0  }
0x5a: {  	s13 =	sadd.s32 $0x300, s7;
	[sflag:s0] =	ssyncadd.s32 @!p1 $0xFFFFC000  }
0x5b: {  	[tilespmem:s20], [sflag:$0x4] =	stream.indirect.gather [hbm4b:s4+s16], $0x40, s13, s16, $0xb8;
	[tilespmem:$0x1E400] =	vst v63  }
.Ltmp5:
0x5c: {  	_ = 	snop;
	(pc) =	sbr.rel @p0 .LBB2_5-.Ltmp5, $4  }
0x5d: {  	_ =	swait.ge [sflag:s21], $0x4000  }
0x5e: {  	[sflag:s21] =	ssyncset.done $0x0  }
0x5f: {  	[sflag:s21] =	ssyncadd.s32 $0xFFFFC000  }
0x60: {  	[hbm4b:s10+s3] =	stream.linear.scatter [tilespmem:s22], [sflag:$0x8], $0x4000, $0x38;
	[tilespmem:$0x1E400] =	vst v63  }
0x61: {  	p2 =	slt.u32 s5, $0x10  }
.Ltmp6:
0x62: {  	_ = 	snop;
	(pc) =	sbr.rel @p2 .LBB2_6-.Ltmp6, $4  }
.Ltmp7:
0x63: {  	_ = 	snop;
	(pc) =	sbr.rel @!p2 .LBB2_7-.Ltmp7, $4  }
0x64: {  	_ =	swait.ge [sflag:s23], $0x4000  }
0x65: {  	[sflag:s23] =	ssyncset.done $0x0  }
0x66: {  	p1 =	por $0x0, $0x0;
	[sflag:s23] =	ssyncadd.s32 $0xFFFFC000  }
0x67: {  	_ = 	snop  }
.LBB2_5:
0x68: {  	p2 =	sgt.u32 s5, $0xF  }
.Ltmp8:
0x69: {  	_ = 	snop;
	(pc) =	sbr.rel @p2 .LBB2_7-.Ltmp8, $2  }
0x6a: {  	_ =	sdelay $0x2  }
0x6b: {  	p1 =	por $0x0, $0x0  }
.LBB2_6:
0x6c: {  	s0 =	sadd.s32 $0x400, s7;
	p1 =	por $0x1, $0x1  }
0x6d: {  	[tilespmem:s24], [sflag:$0x5] =	stream.indirect.gather [hbm4b:s4+s16], $0x40, s0, s16, $0xb8;
	[tilespmem:$0x1E400] =	vst v63  }
.LBB2_7:
.Ltmp9:
0x6e: {  	s0 =	sshll.u32 s15, $0xE;
	(pc) =	sbr.rel @p0 .LBB2_9-.Ltmp9, $4  }
0x6f: {  	_ =	swait.ge [sflag:s25], $0x4000;
	s0 =	sadd.s32 s6, s0  }
0x70: {  	[sflag:s25] =	ssyncset.done $0x0;
	s0 =	sshrl.u32 s0, $0x3  }
0x71: {  	[sflag:s25] =	ssyncadd.s32 $0xFFFFC000;
	s0 =	sadd.s32 s2, s0  }
0x72: {  	[hbm4b:s0+s3] =	stream.linear.scatter [tilespmem:s18], [sflag:$0x9], $0x4000, $0x38;
	[tilespmem:$0x1E400] =	vst v63  }
.Ltmp10:
0x73: {  	(pc) =	sbr.rel @p1 .LBB2_10-.Ltmp10, $4  }
.Ltmp11:
0x74: {  	(pc) =	sbr.rel @!p1 .LBB2_11-.Ltmp11, $4  }
0x75: {  	_ =	swait.ge [sflag:s26], $0x4000  }
0x76: {  	[sflag:s26] =	ssyncset.done $0x0  }
0x77: {  	[sflag:s26] =	ssyncadd.s32 $0xFFFFC000  }
0x78: {  	_ = 	snop  }
.LBB2_9:
.Ltmp12:
0x79: {  	(pc) =	sbr.rel @!p1 .LBB2_11-.Ltmp12, $4  }
.Ltmp13:
0x7a: {  	(pc) =	sbr.rel @p1 .LBB2_10-.Ltmp13, $4  }
0x7b: {  	_ = 	snop  }
0x7c: {  	_ = 	snop  }
0x7d: {  	_ = 	snop  }
0x7e: {  	_ = 	snop  }
.LBB2_13:
0x7f: {  	_ =	sfence.sel $0x180000  }
0x80: {  	[bflag:$0x0] =	sbarrier.arrive $0xFFFF  }
0x81: {  	_ =	strace $0x90000047  }
0x82: {  	s0 =	stileid.u32;
	[bflag:$0x2] =	sbarrier.arrive $0xFFFF  }
0x83: {  	p0 =	sne.s32 s0, $0x0;
	s0 =	rddreg [dreg:$0x2]  }
0x84: {  	s0 =	sadd.s32 @!p0 $0x100000, s0  }
0x85: {  	[sflag:s0] =	ssyncadd.tile.s32 @!p0 $0x1;
	_ =	shalt  }
.Lfunc_end2:
_tile_overlayer_lowered:
.L_overlay_start_2:
0x86: {  	(tag) =	ssettag $0x2  }
0x87: {  	s0 =	rddreg [dreg:$0x0];
	s2 =	stileid.u32  }
0x88: {  	s1 =	rddreg [dreg:$0x1];
	p0 =	sne.s32 s2, $0x0  }
0x89: {  	s3 =	rddreg [dreg:$0x2];
	[bflag:$0x3] =	sbarrier.arrive $0xFFFF;
	s2 =	simm.s32 @!p0 $0x1C0D  }
0x8a: {  	[timem:s3], [sflag:s2] =	dma.local @!p0 [hbm:s0], s1  }
0x8b: {  	s0 =	simm.s32 @!p0 $0xD  }
0x8c: {  	_ =	swait.ge @!p0 [sflag:s0], s1  }
0x8d: {  	s1 =	ssub.s32 @!p0 $0x0, s1;
	[sflag:s0] =	ssyncset.done @!p0 $0x0  }
0x8e: {  	[sflag:s0] =	ssyncadd.s32 @!p0 s1  }
0x8f: {  	[bflag:$0x3] =	sbarrier.arrive $0xFFFF  }
0x90: {  	_ =	shalt  }

// kernel: sparse-core-data-format-call.cloned.1.call-start
scs
called_computation_lowered:
.L_overlay_start_0:
0x0: {  	s2 =	sld [smem:$0x3FD9]  }
0x1: {  	s3 =	sld [smem:$0x3FFE];
	_ =	sdelay $0x1  }
0x2: {  	s1 =	srdreg.scid  }
0x3: {  	s0 =	sand.u32 $0x1, s1  }
0x4: {  	s18 =	sshll.u32 s0, $0xA;
	s2 =	sadd.s32 s3, s2  }
0x5: {  	s2 =	sadd.s32 s2, s18  }
0x6: {  	[smem:$0x3FC6] =	sst s2  }
0x7: {  	_ = 	snop  }
0x8: {  	s2 =	sld [smem:$0x3FD0];
	(tm) =	ssettm $0x1  }
0x9: {  	s19 =	sld [smem:$0x3FFB];
	_ =	sdelay $0x3  }
0xa: {  	_ =	strace s19  }
0xb: {  	s3 =	sld [smem:$0x3FFC];
	_ =	sdelay $0x3  }
0xc: {  	_ =	strace s3  }
0xd: {  	s3 =	sld [smem:$0x3FFD];
	_ =	sdelay $0x3  }
0xe: {  	_ =	strace s3  }
0xf: {  	_ =	strace $0x8FFFFFFF  }
0x10: {  	s20 =	sld [smem:$0x3FDB];
	_ =	sdelay $0x1  }
0x11: {  	s4 =	simm.s32 $_scs_section_size  }
0x12: {  	s5 =	simm.s32 $_size__tile_overlayer_lowered;
	s6 =	simm.s32 $_tile_overlayer_lowered  }
0x13: {  	s23 =	simm.s32 $0x1BFF;
	s22 =	sshll.u32 s6, $0x1;
	s3 =	sadd.s32 s4, s20  }
0x14: {  	s7 =	simm.s32 $0x0;
	s21 =	sshll.u32 s5, $0x1;
	s5 =	sadd.s32 s22, s3  }
0x15: {  	[timem:s7], [sflag:s23] =	dma.local [hbm:s5], s21  }
0x16: {  	_ =	swait.ge [sflag:s23], s21  }
0x17: {  	s4 =	ssub.s32 $0x0, s21;
	[sflag:s23] =	ssyncset.done $0x0  }
0x18: {  	[sflag:s23] =	ssyncadd.s32 s4;
	_ =	sdelay $0x1  }
0x19: {  	s24 =	simm.s32 $0x1B8B  }
0x1a: {  	_ =	swait.ge [sflag:s24], $0x1  }
0x1b: {  	[sflag:s24] =	ssyncset.done $0x0  }
0x1c: {  	s26 =	simm.s32 $0x1B8E;
	s25 =	sld [smem:$0x3FFE];
	[sflag:s24] =	ssyncadd.s32 $0xFFFFFFFF  }
0x1d: {  	s27 =	simm.s32 $execute0_lowered;
	[smem:$0x3FD2] =	sst s26  }
0x1e: {  	s5 =	sshll.u32 s27, $0x1;
	_ =	strace $0x80000049;
	[dreg:$0x1] =	wrdreg $0xFFFFFFFF  }
0x1f: {  	s28 =	simm.s32 $_size_execute0_lowered;
	s3 =	sadd.s32 s3, s5;
	[dreg:$0x0] =	wrdreg $0x0  }
0x20: {  	s5 =	sshll.u32 s28, $0x1;
	[dreg:$0x2] =	wrdreg s3  }
0x21: {  	[dreg:$0x3] =	wrdreg s5  }
0x22: {  	[dreg:$0x4] =	wrdreg $0xC0  }
0x23: {  	_ =	task [dreg:s7], $0x5FFFF  }
0x24: {  	[dreg:$0x1] =	wrdreg $0xFFFFFFFF  }
0x25: {  	[dreg:$0x0] =	wrdreg $0x60  }
0x26: {  	[dreg:$0x2] =	wrdreg s25  }
0x27: {  	[dreg:$0x3] =	wrdreg s2  }
0x28: {  	[dreg:$0x4] =	wrdreg $0x9  }
0x29: {  	_ =	task.clear_ibuf [dreg:s7], $0x5FFFF;
	_ =	strace $0x90000049  }
0x2a: {  	s29 =	simm.s32 $0x9;
	_ =	strace $0x8000004B  }
0x2b: {  	_ =	swait.ge [sflag:s29], $0x1  }
0x2c: {  	[sflag:s29] =	ssyncadd.s32 $0xFFFFFFFF  }
0x2d: {  	_ =	strace $0x9000004B  }
0x2e: {  	_ =	sfence  }
0x2f: {  	s30 =	sld [smem:$0x0];
	_ =	sdelay $0x2  }
0x30: {  	s31 =	sshll.u32 s1, $0xD;
	s1 =	sshrl.u32 s1, $0x2  }
0x31: {  	s3 =	sand.u32 $0x4000, s31;
	s1 =	sadd.s32 s1, s30  }
0x32: {  	s0 =	sor.u32 s3, s0;
	s1 =	sshll.u32 s1, $0x11  }
0x33: {  	s0 =	sor.u32 s1, s0  }
0x34: {  	s0 =	sadd.s32 $0x8F2B, s0  }
0x35: {  	[sflag:s0] =	ssyncadd.remote.s32 $0x1  }
0x36: {  	_ =	sfence.sel $0xFFFF  }
0x37: {  	[dreg:$0x0] =	wrdreg $0xFFFFFFFF;
	(pc) =	sbr.abs _section_cstart, $3  }
0x38: {  	[dreg:$0x1] =	wrdreg $0xFFFFFFFF  }
0x39: {  	_ =	task.clear_ibuf [dreg:s7], $0x2FFFF;
	_ =	strace $0x9FFFFFFF  }
0x3a: {  	(tm) =	ssettm $0x7FFFFFFF  }
0x3b: {  	_ =	shalt  }
tec
execute0_lowered:
.L_overlay_start_1:
0x0: {  	(tag) =	ssettag $0x1  }
0x1: {  	s0 =	srdreg.scid  }
0x2: {  	s1 =	sshll.u32 s0, $0x4  }
0x3: {  	s0 =	stileid.u32;
	s1 =	sand.u32 $0x10, s1  }
0x4: {  	s1 =	sor.u32 s0, s1  }
0x5: {  	s6 =	rddreg [dreg:$0x0];
	s4 =	simm.s32 $0x1;
	s2 =	sshll.u32 s1, $0x7  }
0x6: {  	s7 =	simm.s32 $0x2;
	s12 =	simm.s32 $0x0;
	s1 =	ssub.s32 $0x4000, s2  }
0x7: {  	s8 =	simm.s32 $0x20000;
	s13 =	simm.s32 $0x0;
	s3 =	sand.u32 $0xF80, s1  }
0x8: {  	s9 =	simm.s32 $0x0;
	s5 =	sshrl.u32 s1, $0xC;
	p0 =	sne.s32 s3, $0x0  }
.Ltmp0:
0x9: {  	s1 =	rddreg [dreg:$0x2];
	s4 =	simm.s32 @!p0 $0x0;
	(pc) =	sbr.rel .LBB1_1-.Ltmp0, $4  }
0xa: {  	s11 =	simm.s32 $0x0;
	s3 =	rddreg [dreg:$0x1];
	s5 =	sadd.s32 s4, s5  }
0xb: {  	_ =	strace $0x8000004A;
	s4 =	simm.s32 $0x1;
	s5 =	smul.u32 $0x32, s5  }
0xc: {  	s6 =	sadd.s32 $0xA00, s6;
	s10 =	smov.u32 s2;
	[sflag:s4] =	ssyncpa.u1 $0x0  }
0xd: {  	p0 =	por $0x0, $0x0;
	[sflag:s7] =	ssyncpa.u1 $0x0;
	s7 =	sor.u32 $0x1, s5  }
.LBB1_4:
0xe: {  	s16 =	sshll.u32 s13, $0x3;
	s17 =	sand.u32 $0x78, s13  }
0xf: {  	s30 =	sand.u32 $0x1F800, s13;
	s12 =	sshll.u32 s12, $0x11;
	s16 =	sand.u32 $0x3C00, s16  }
0x10: {  	[tilespmem:s15+$0x810 ss:$0x81] =	vst.msk $0xffff, v2;
	s31 =	sand.u32 $0x7, s13;
	s16 =	sor.u32 s17, s16;
	s17 =	sadd.s32 s3, s30  }
0x11: {  	[tilespmem:s15+$0x1020 ss:$0x81] =	vst.msk $0xffff, v0;
	s13 =	sshll.u32 s31, $0x12;
	s12 =	sadd.s32 s12, s17;
	s16 =	sshrl.u32 s16, $0x3  }
0x12: {  	[tilespmem:s15+$0x0 ss:$0x81] =	vst.msk $0xffff, v1;
	s13 =	sor.u32 $0x400, s13;
	s12 =	sadd.s32 s16, s12  }
0x13: {  	[hbm4b:s12+s13] =	stream.strided.scatter [tilespmem:s14], [sflag:$0x2], $0x2000, s8, s13, $0x20;
	[tilespmem:$0x8080] =	vst v63  }
.LBB1_5:
0x14: {  	s14 =	sadd.s32 $0x1, s9  }
0x15: {  	s12 =	sadd.s32 $0x1000, s10;
	s16 =	smov.u32 s10;
	p2 =	sgt.s32 s14, $0x31  }
0x16: {  	s16 =	smov.u32 @p2 s12  }
0x17: {  	s14 =	simm.s32 @p2 $0x0;
	p2 =	sgt.s32 s16, $0x3FFF  }
0x18: {  	s16 =	smov.u32 @p2 s2;
	p2 =	sne.s32 s11, s7  }
.Ltmp1:
0x19: {  	p1 =	slt.u32 s11, $0x2;
	(pc) =	sbr.rel @!p2 .LBB1_6-.Ltmp1, $4  }
0x1a: {  	s15 =	simm.s32 @!p1 $0x2  }
0x1b: {  	s13 =	smov.u32 s10;
	p0 =	por !p0, !p0;
	_ =	swait.ge @!p1 [sflag:s15], $0x2000  }
0x1c: {  	s12 =	smov.u32 s9;
	[sflag:s15] =	ssyncset.done @!p1 $0x0;
	s9 =	smov.u32 s14  }
0x1d: {  	s11 =	sadd.s32 $0x1, s11;
	[sflag:s15] =	ssyncadd.s32 @!p1 $0xFFFFE000;
	s10 =	smov.u32 s16  }
.LBB1_1:
0x1e: {  	p1 =	sge.u32 s11, s5  }
0x1f: {  	s14 =	sand.u32 @!p1 $0x1FFFFFF, s9  }
0x20: {  	s15 =	smulhi.u32 @!p1 $0x4924925, s14;
	_ =	sdelay $0x1  }
0x21: {  	s15 =	smul.u32 @!p1 $0x38, s15  }
0x22: {  	s16 =	sxor.u32 @!p1 $0xFFFFFFFF, s11;
	s17 =	smul.u32 @!p1 $0x380, s10  }
0x23: {  	s31 =	sadd.s32 $0xFFFFFFFF, s11;
	s16 =	sshll.u32 @!p1 s16, $0xD;
	s14 =	ssub.s32 @!p1 s14, s15  }
0x24: {  	s15 =	sand.u32 @!p1 $0x2000, s16;
	s16 =	sadd.s32 @!p1 s6, s17;
	s14 =	sshll.u32 @!p1 s14, $0x4  }
0x25: {  	s17 =	simm.s32 @!p1 $0x1C00;
	s14 =	sadd.s32 @!p1 s14, s16;
	s16 =	simm.s32 @!p1 $0x40  }
0x26: {  	[tilespmem:s15], [sflag:$0x1] =	stream.strided.gather @!p1 [hbm4b:s14+s16], $0x2000, s17, s16, $0x38;
	[tilespmem:$0x8080] =	vst v63  }
0x27: {  	p1 =	sge.u32 s31, s5  }
.Ltmp2:
0x28: {  	_ = 	snop;
	(pc) =	sbr.rel @p1 .LBB1_5-.Ltmp2, $1  }
0x29: {  	_ =	sdelay $0x3  }
0x2a: {  	s14 =	simm.s32 $0x1  }
0x2b: {  	_ =	swait.ge [sflag:s4], $0x2000;
	s14 =	simm.s32 @!p0 $0x0  }
0x2c: {  	[sflag:s4] =	ssyncset.done $0x0;
	s15 =	sshll.u32 s14, $0xD  }
0x2d: {  	[sflag:s4] =	ssyncadd.s32 $0xFFFFE000;
	s18 =	sor.u32 $0x20, s15  }
0x2e: {  	s14 =	smul.u32 $0x8100, s14;
	v3 =	vld [tilespmem:s18+$0x10]  }
0x2f: {  	s30 =	sand.u32 $0x1, s11;
	v2 =	vld [tilespmem:s18+$0xFFFFFFF0]  }
0x30: {  	s15 =	smul.u32 $0x8100, s30;
	s14 =	sshrl.u32 s14, $0x2;
	v0 =	vld [tilespmem:s18+$0x0]  }
0x31: {  	v1 =	vld [tilespmem:s18+$0xFFFFFFE0];
	s16 =	sor.u32 $0x4000, s14  }
0x32: {  	s31 =	sshrl.u32 s15, $0x2;
	s15 =	sadd.s32 $0x0, s16  }
0x33: {  	s17 =	simm.s32 $0x4;
	s18 =	sadd.s32 $0x40, s18;
	s14 =	sor.u32 $0x4000, s31;
	[tilespmem:s15+$0x1830 ss:$0x81] =	vst.msk $0xffff, v3  }
.LBB1_3:
0x34: {  	v3 =	vld [tilespmem:s18+$0x10];
	p1 =	sne.s32 s17, $0x1FC;
	[tilespmem:s15+$0x810 ss:$0x81] =	vst.msk $0xffff, v2;
	s19 =	smov.u32 s17;
	s17 =	sadd.s32 $0x4, s17  }
.Ltmp3:
0x35: {  	v2 =	vld [tilespmem:s18+$0xFFFFFFF0];
	[tilespmem:s15+$0x1020 ss:$0x81] =	vst.msk $0xffff, v0;
	(pc) =	sbr.rel @p1 .LBB1_3-.Ltmp3, $4  }
0x36: {  	v0 =	vld [tilespmem:s18+$0x0];
	[tilespmem:s15+$0x0 ss:$0x81] =	vst.msk $0xffff, v1  }
0x37: {  	s15 =	sshra.s32 s19, $0x2;
	v1 =	vld [tilespmem:s18+$0xFFFFFFE0]  }
0x38: {  	s15 =	sadd.s32 s15, s16  }
0x39: {  	s18 =	sadd.s32 $0x40, s18;
	[tilespmem:s15+$0x1830 ss:$0x81] =	vst.msk $0xffff, v3  }
.Ltmp4:
0x3a: {  	_ = 	snop;
	(pc) =	sbr.rel .LBB1_4-.Ltmp4, $1  }
0x3b: {  	_ =	sdelay $0x3  }
.LBB1_6:
0x3c: {  	_ =	sfence.sel $0x180000  }
0x3d: {  	s2 =	simm.s32 $0x1;
	[bflag:$0x0] =	sbarrier.arrive $0xFFFF  }
0x3e: {  	s31 =	simm.s32 $0x2;
	[sflag:s2] =	ssyncpa.u1 $0x1  }
0x3f: {  	[sflag:s31] =	ssyncpa.u1 $0x1  }
0x40: {  	p0 =	sne.s32 s0, $0x0;
	_ =	strace $0x9000004A  }
0x41: {  	s0 =	sadd.s32 @!p0 $0x100000, s1;
	[bflag:$0x2] =	sbarrier.arrive $0xFFFF  }
0x42: {  	[sflag:s0] =	ssyncadd.tile.s32 @!p0 $0x1;
	_ =	shalt  }
.Lfunc_end1:
_tile_overlayer_lowered:
.L_overlay_start_2:
0x43: {  	(tag) =	ssettag $0x2  }
0x44: {  	s0 =	rddreg [dreg:$0x0];
	s2 =	stileid.u32  }
0x45: {  	s1 =	rddreg [dreg:$0x1];
	p0 =	sne.s32 s2, $0x0  }
0x46: {  	s3 =	rddreg [dreg:$0x2];
	[bflag:$0x3] =	sbarrier.arrive $0xFFFF;
	s2 =	simm.s32 @!p0 $0x1C01  }
0x47: {  	[timem:s3], [sflag:s2] =	dma.local @!p0 [hbm:s0], s1  }
0x48: {  	s0 =	simm.s32 @!p0 $0x1  }
0x49: {  	_ =	swait.ge @!p0 [sflag:s0], s1  }
0x4a: {  	s1 =	ssub.s32 @!p0 $0x0, s1;
	[sflag:s0] =	ssyncset.done @!p0 $0x0  }
0x4b: {  	[sflag:s0] =	ssyncadd.s32 @!p0 s1  }
0x4c: {  	[bflag:$0x3] =	sbarrier.arrive $0xFFFF  }
0x4d: {  	_ =	shalt  }

</sc_bundles>
